<compile_context>
chip_gen: v7x
topology: tpu7x:2x2x1
jax: 0.10.2.dev20260603
libtpu: 0.0.44.dev20260713+nightly
codegen_flags: <defaults>
</compile_context>

<pallas_src>
import jax
import jax.numpy as jnp
from jax import lax
from jax.experimental import pallas as pl
from jax.experimental.pallas import tpu as pltpu
from jax.experimental.pallas import tpu_sc as plsc

_MOM = 0.99
_NC = 2
_NS = 16
_CH = 64
_BC = 2048


def _sc_segsum(z, y2, c):
    n, d = z.shape
    hd = d // _NC
    rps = n // _NS
    nch = rps // _CH
    cps = c // _NS

    nbuf = 2
    npair = nch // 2
    nout = npair // nbuf

    def body(z_hbm, y_hbm, sums_out, acc, ybuf, zzero, *rest):
        zbufs = rest[:nbuf]
        gsems = rest[nbuf:2 * nbuf]
        isem = rest[2 * nbuf]
        ysem = rest[2 * nbuf + 1]
        h = lax.axis_index("c")
        s = lax.axis_index("s")
        col0 = pl.multiple_of(h * hd, hd)
        crow0 = pl.multiple_of(s * cps, cps)
        row0 = pl.multiple_of(s * rps, rps)

        def gather(pair, b):
            off = pl.multiple_of(row0 + pair * (2 * _CH), 2 * _CH)
            pltpu.make_async_copy(
                z_hbm.at[pl.ds(off, 2 * _CH), pl.ds(col0, hd)],
                zbufs[b], gsems[b]).start()

        def gather_wait(b):
            pltpu.make_async_copy(
                z_hbm.at[pl.ds(row0, 2 * _CH), pl.ds(col0, hd)],
                zbufs[b], gsems[b]).wait()

        for b in range(nbuf):
            gather(b, b)

        zrow = jnp.zeros((16,), jnp.float32)

        def zfill(i, carry):
            for u in range(hd // 16):
                zzero[i, pl.ds(u * 16, 16)] = zrow
            return carry

        lax.fori_loop(0, zzero.shape[0], zfill, 0)
        zr = zzero.shape[0]
        pltpu.make_async_copy(
            y_hbm.at[pl.ds(pl.multiple_of(s * nch, nch), nch)], ybuf,
            ysem).start()
        for q in range(cps // zr):
            pltpu.make_async_copy(
                zzero, acc.at[pl.ds(crow0 + q * zr, zr)], isem).start()
        for q in range(cps // zr):
            pltpu.make_async_copy(
                zzero, acc.at[pl.ds(crow0, zr)], isem).wait()
        pltpu.make_async_copy(
            y_hbm.at[pl.ds(pl.multiple_of(s * nch, nch), nch)], ybuf,
            ysem).wait()
        plsc.subcore_barrier()

        def outer_step(t, carry):
            for b in range(nbuf):
                p_ = t * nbuf + b
                gather_wait(b)
                for half in range(2):
                    pltpu.sync_copy(
                        zbufs[b].at[pl.ds(half * _CH, _CH)],
                        acc.at[ybuf.at[2 * p_ + half]], add=True)

                @pl.when(t < nout - 1)
                def _():
                    gather(p_ + nbuf, b)

            return carry

        lax.fori_loop(0, nout, outer_step, 0)
        plsc.subcore_barrier()
        pltpu.sync_copy(acc.at[pl.ds(crow0, cps)],
                        sums_out.at[pl.ds(crow0, cps), pl.ds(col0, hd)])

    mesh = plsc.VectorSubcoreMesh(core_axis_name="c", subcore_axis_name="s")
    fn = pl.kernel(
        body,
        mesh=mesh,
        out_type=jax.ShapeDtypeStruct((c, d), jnp.float32),
        scratch_types=[
            pltpu.VMEM_SHARED((c, hd), jnp.float32),
            pltpu.VMEM((nch, _CH), jnp.int32),
            pltpu.VMEM((_CH, hd), jnp.float32),
        ] + [pltpu.VMEM((2 * _CH, hd), jnp.float32)] * nbuf
          + [pltpu.SemaphoreType.DMA] * (nbuf + 2),
    )
    return fn(z, y2)


def _finish_body(sums_ref, protos_ref, mask_ref, out_ref):
    sums = sums_ref[...]
    protos = protos_ref[...]
    mask = mask_ref[...]
    nrm = jnp.sqrt(jnp.sum(sums * sums, axis=1, keepdims=True))
    zc = sums / jnp.maximum(nrm, 1e-12)
    ema = _MOM * protos + (1.0 - _MOM) * zc
    enrm = jnp.sqrt(jnp.sum(ema * ema, axis=1, keepdims=True))
    ema = ema / jnp.maximum(enrm, 1e-12)
    new = jnp.where(mask > 0.0, ema, zc)
    out_ref[...] = jnp.where(nrm > 0.0, new, protos)


def kernel(z, y, protos, init_mask):
    n, d = z.shape
    c = protos.shape[0]
    y2 = y.reshape(n // _CH, _CH).astype(jnp.int32)
    sums = _sc_segsum(z, y2, c)

    maskf = init_mask.astype(jnp.float32).reshape(c, 1)
    out = pl.pallas_call(
        _finish_body,
        grid=(c // _BC,),
        in_specs=[
            pl.BlockSpec((_BC, d), lambda i: (i, 0)),
            pl.BlockSpec((_BC, d), lambda i: (i, 0)),
            pl.BlockSpec((_BC, 1), lambda i: (i, 0)),
        ],
        out_specs=pl.BlockSpec((_BC, d), lambda i: (i, 0)),
        out_shape=jax.ShapeDtypeStruct((c, d), jnp.float32),
    )(sums, protos, maskf)
    return out

# --- scband reference (transcript-rebuilt; emitter-appended) ---
"""Pipeline reference for scband-prototype-ema-17849884082283 (READ-ONLY COPY).

The authoritative reference and input builder live on the scoring server;
editing this copy changes nothing except your own understanding.
"""

import jax, jax.numpy as jnp
import numpy as np

C = 8192
D = 256
N = 65536
M = 0.99

def setup_inputs(seed: int = 0):
    key = jax.random.key(seed)
    k1, k2, k3 = jax.random.split(key, 3)
    z = jax.random.normal(k1, (N, D), dtype=jnp.float32)
    y = jax.random.randint(k2, (N,), 0, C)
    protos = jax.random.normal(k3, (C, D), dtype=jnp.float32)
    protos = protos / jnp.maximum(jnp.linalg.norm(protos, axis=1, keepdims=True), 1e-12)
    init_mask = jnp.ones((C,), dtype=bool)
    return {"z": z, "y": y, "protos": protos, "init_mask": init_mask}

def reference(z, y, protos, init_mask):
    # Faithful vectorized translation of PrototypeEMA.update:
    # for each class c present in y:
    #   zc = normalize(mean(z[y==c]))
    #   protos[c] = zc if not init_mask[c] else normalize(m*protos[c] + (1-m)*zc)
    C_ = protos.shape[0]
    counts = jax.ops.segment_sum(jnp.ones((z.shape[0],), dtype=jnp.float32), y, num_segments=C_)
    sums = jax.ops.segment_sum(z, y, num_segments=C_)
    mean = sums / jnp.maximum(counts, 1.0)[:, None]
    zc = mean / jnp.maximum(jnp.linalg.norm(mean, axis=1, keepdims=True), 1e-12)
    ema = M * protos + (1.0 - M) * zc
    ema = ema / jnp.maximum(jnp.linalg.norm(ema, axis=1, keepdims=True), 1e-12)
    new_protos = jnp.where(init_mask[:, None], ema, zc)
    new_protos = jnp.where((counts > 0)[:, None], new_protos, protos)
    return new_protos

if __name__ == "__main__":
    import jax
    _d = setup_inputs()
    print(jax.jit(kernel)(*tuple(_d.values())))

</pallas_src>

<mosaic_0001>
#map = affine_map<(d0, d1) -> (0, 0)>
module attributes {stable_mosaic.version = 14 : i64} {
  func.func @body(%arg0: i32, %arg1: i32, %arg2: memref<65536x256xf32, #tpu.memory_space<hbm>>, %arg3: memref<1024x64xi32, #tpu.memory_space<hbm>>, %arg4: memref<8192x256xf32, #tpu.memory_space<hbm>>, %arg5: memref<8192x128xf32, #tpu.memory_space<vmem_shared>>, %arg6: memref<64x64xi32, #tpu.memory_space<vmem>>, %arg7: memref<64x128xf32, #tpu.memory_space<vmem>>, %arg8: memref<128x128xf32, #tpu.memory_space<vmem>>, %arg9: memref<128x128xf32, #tpu.memory_space<vmem>>, %arg10: memref<!tpu.dma_semaphore, #tpu.memory_space<semaphore_mem>>, %arg11: memref<!tpu.dma_semaphore, #tpu.memory_space<semaphore_mem>>, %arg12: memref<!tpu.dma_semaphore, #tpu.memory_space<semaphore_mem>>, %arg13: memref<!tpu.dma_semaphore, #tpu.memory_space<semaphore_mem>>) attributes {dimension_semantics = [#tpu.dimension_semantics<core_parallel>, #tpu.dimension_semantics<subcore_parallel>], iteration_bounds = array<i64: 2, 16>, scalar_prefetch = 0 : i64, scratch_operands = 9 : i64, tpu.core_type = #tpu.core_type<sc_vector_subcore>, window_params = [{transform_indices = #map}, {transform_indices = #map}, {transform_indices = #map}]} {
    %mul3A = arith.constant 128 : i32
    %mul3A_0 = arith.muli %arg0, %mul3A : i32
    %multiple_of3A = tpu.assume_multiple %mul3A_0, 128 : i32
    %mul3A_1 = arith.constant 512 : i32
    %mul3A_2 = arith.muli %arg1, %mul3A_1 : i32
    %multiple_of3A_3 = tpu.assume_multiple %mul3A_2, 512 : i32
    %mul3A_4 = arith.constant 4096 : i32
    %mul3A_5 = arith.muli %arg1, %mul3A_4 : i32
    %multiple_of3A_6 = tpu.assume_multiple %mul3A_5, 4096 : i32
    %add3A = arith.constant 0 : i32
    %add3A_7 = arith.addi %multiple_of3A_6, %add3A : i32
    %multiple_of3A_8 = tpu.assume_multiple %add3A_7, 128 : i32
    %dma_start3A = tpu.memref_slice %arg2[%multiple_of3A_8, %multiple_of3A] : memref<65536x256xf32, #tpu.memory_space<hbm>> -> memref<128x128xf32, #tpu.memory_space<hbm>>
    %dma_start3A_9 = tpu.memref_slice %arg2[%multiple_of3A_8, %multiple_of3A] : memref<65536x256xf32, #tpu.memory_space<hbm>> -> memref<128x128xf32, #tpu.memory_space<hbm>>
    tpu.enqueue_dma source(%dma_start3A_9 : memref<128x128xf32, #tpu.memory_space<hbm>>) target(%arg8 : memref<128x128xf32, #tpu.memory_space<vmem>>) target_semaphore(%arg10 : memref<!tpu.dma_semaphore, #tpu.memory_space<semaphore_mem>>)
    %add3A_10 = arith.constant 128 : i32
    %add3A_11 = arith.addi %multiple_of3A_6, %add3A_10 : i32
    %multiple_of3A_12 = tpu.assume_multiple %add3A_11, 128 : i32
    %dma_start3A_13 = tpu.memref_slice %arg2[%multiple_of3A_12, %multiple_of3A] : memref<65536x256xf32, #tpu.memory_space<hbm>> -> memref<128x128xf32, #tpu.memory_space<hbm>>
    %dma_start3A_14 = tpu.memref_slice %arg2[%multiple_of3A_12, %multiple_of3A] : memref<65536x256xf32, #tpu.memory_space<hbm>> -> memref<128x128xf32, #tpu.memory_space<hbm>>
    tpu.enqueue_dma source(%dma_start3A_14 : memref<128x128xf32, #tpu.memory_space<hbm>>) target(%arg9 : memref<128x128xf32, #tpu.memory_space<vmem>>) target_semaphore(%arg11 : memref<!tpu.dma_semaphore, #tpu.memory_space<semaphore_mem>>)
    %broadcast_in_dim3A = arith.constant 0.000000e+00 : f32
    %broadcast_in_dim3A_15 = vector.broadcast %broadcast_in_dim3A : f32 to vector<16xf32>
    %scan3A = arith.constant 0 : i32
    %scan3A_16 = arith.constant 0 : i32
    %scan3A_17 = arith.constant 64 : i32
    %scan3A_18 = arith.addi %scan3A_16, %scan3A_17 : i32
    %scan3A_19 = arith.constant 1 : i32
    scf.for %scan3A_121 = %scan3A_16 to %scan3A_18 step %scan3A_19  : i32 {
      %swap3A = arith.index_cast %scan3A_121 : i32 to index
      %swap3A_122 = arith.constant 0 : index
      %swap3A_123 = tpu.vector_load %arg7[%swap3A, %swap3A_122] {strides = array<i32>} : memref<64x128xf32, #tpu.memory_space<vmem>>, vector<1x16xf32>,
      %swap3A_124 = vector.shape_cast %swap3A_123 : vector<1x16xf32> to vector<16xf32>
      %swap3A_125 = vector.shape_cast %broadcast_in_dim3A_15 : vector<16xf32> to vector<1x16xf32>
      tpu.vector_store %arg7[%swap3A, %swap3A_122], %swap3A_125 {strides = array<i32>} : memref<64x128xf32, #tpu.memory_space<vmem>>, vector<1x16xf32>,
      %swap3A_126 = arith.index_cast %scan3A_121 : i32 to index
      %swap3A_127 = arith.constant 16 : index
      %swap3A_128 = tpu.vector_load %arg7[%swap3A_126, %swap3A_127] {strides = array<i32>} : memref<64x128xf32, #tpu.memory_space<vmem>>, vector<1x16xf32>,
      %swap3A_129 = vector.shape_cast %swap3A_128 : vector<1x16xf32> to vector<16xf32>
      %swap3A_130 = vector.shape_cast %broadcast_in_dim3A_15 : vector<16xf32> to vector<1x16xf32>
      tpu.vector_store %arg7[%swap3A_126, %swap3A_127], %swap3A_130 {strides = array<i32>} : memref<64x128xf32, #tpu.memory_space<vmem>>, vector<1x16xf32>,
      %swap3A_131 = arith.index_cast %scan3A_121 : i32 to index
      %swap3A_132 = arith.constant 32 : index
      %swap3A_133 = tpu.vector_load %arg7[%swap3A_131, %swap3A_132] {strides = array<i32>} : memref<64x128xf32, #tpu.memory_space<vmem>>, vector<1x16xf32>,
      %swap3A_134 = vector.shape_cast %swap3A_133 : vector<1x16xf32> to vector<16xf32>
      %swap3A_135 = vector.shape_cast %broadcast_in_dim3A_15 : vector<16xf32> to vector<1x16xf32>
      tpu.vector_store %arg7[%swap3A_131, %swap3A_132], %swap3A_135 {strides = array<i32>} : memref<64x128xf32, #tpu.memory_space<vmem>>, vector<1x16xf32>,
      %swap3A_136 = arith.index_cast %scan3A_121 : i32 to index
      %swap3A_137 = arith.constant 48 : index
      %swap3A_138 = tpu.vector_load %arg7[%swap3A_136, %swap3A_137] {strides = array<i32>} : memref<64x128xf32, #tpu.memory_space<vmem>>, vector<1x16xf32>,
      %swap3A_139 = vector.shape_cast %swap3A_138 : vector<1x16xf32> to vector<16xf32>
      %swap3A_140 = vector.shape_cast %broadcast_in_dim3A_15 : vector<16xf32> to vector<1x16xf32>
      tpu.vector_store %arg7[%swap3A_136, %swap3A_137], %swap3A_140 {strides = array<i32>} : memref<64x128xf32, #tpu.memory_space<vmem>>, vector<1x16xf32>,
      %swap3A_141 = arith.index_cast %scan3A_121 : i32 to index
      %swap3A_142 = arith.constant 64 : index
      %swap3A_143 = tpu.vector_load %arg7[%swap3A_141, %swap3A_142] {strides = array<i32>} : memref<64x128xf32, #tpu.memory_space<vmem>>, vector<1x16xf32>,
      %swap3A_144 = vector.shape_cast %swap3A_143 : vector<1x16xf32> to vector<16xf32>
      %swap3A_145 = vector.shape_cast %broadcast_in_dim3A_15 : vector<16xf32> to vector<1x16xf32>
      tpu.vector_store %arg7[%swap3A_141, %swap3A_142], %swap3A_145 {strides = array<i32>} : memref<64x128xf32, #tpu.memory_space<vmem>>, vector<1x16xf32>,
      %swap3A_146 = arith.index_cast %scan3A_121 : i32 to index
      %swap3A_147 = arith.constant 80 : index
      %swap3A_148 = tpu.vector_load %arg7[%swap3A_146, %swap3A_147] {strides = array<i32>} : memref<64x128xf32, #tpu.memory_space<vmem>>, vector<1x16xf32>,
      %swap3A_149 = vector.shape_cast %swap3A_148 : vector<1x16xf32> to vector<16xf32>
      %swap3A_150 = vector.shape_cast %broadcast_in_dim3A_15 : vector<16xf32> to vector<1x16xf32>
      tpu.vector_store %arg7[%swap3A_146, %swap3A_147], %swap3A_150 {strides = array<i32>} : memref<64x128xf32, #tpu.memory_space<vmem>>, vector<1x16xf32>,
      %swap3A_151 = arith.index_cast %scan3A_121 : i32 to index
      %swap3A_152 = arith.constant 96 : index
      %swap3A_153 = tpu.vector_load %arg7[%swap3A_151, %swap3A_152] {strides = array<i32>} : memref<64x128xf32, #tpu.memory_space<vmem>>, vector<1x16xf32>,
      %swap3A_154 = vector.shape_cast %swap3A_153 : vector<1x16xf32> to vector<16xf32>
      %swap3A_155 = vector.shape_cast %broadcast_in_dim3A_15 : vector<16xf32> to vector<1x16xf32>
      tpu.vector_store %arg7[%swap3A_151, %swap3A_152], %swap3A_155 {strides = array<i32>} : memref<64x128xf32, #tpu.memory_space<vmem>>, vector<1x16xf32>,
      %swap3A_156 = arith.index_cast %scan3A_121 : i32 to index
      %swap3A_157 = arith.constant 112 : index
      %swap3A_158 = tpu.vector_load %arg7[%swap3A_156, %swap3A_157] {strides = array<i32>} : memref<64x128xf32, #tpu.memory_space<vmem>>, vector<1x16xf32>,
      %swap3A_159 = vector.shape_cast %swap3A_158 : vector<1x16xf32> to vector<16xf32>
      %swap3A_160 = vector.shape_cast %broadcast_in_dim3A_15 : vector<16xf32> to vector<1x16xf32>
      tpu.vector_store %arg7[%swap3A_156, %swap3A_157], %swap3A_160 {strides = array<i32>} : memref<64x128xf32, #tpu.memory_space<vmem>>, vector<1x16xf32>,
    }
    %scan3A_20 = arith.constant 64 : i32
    %mul3A_21 = arith.constant 64 : i32
    %mul3A_22 = arith.muli %arg1, %mul3A_21 : i32
    %multiple_of3A_23 = tpu.assume_multiple %mul3A_22, 64 : i32
    %dma_start3A_24 = arith.constant 0 : i32
    %dma_start3A_25 = tpu.memref_slice %arg3[%multiple_of3A_23, %dma_start3A_24] : memref<1024x64xi32, #tpu.memory_space<hbm>> -> memref<64x64xi32, #tpu.memory_space<hbm>>
    %dma_start3A_26 = arith.constant 0 : i32
    %dma_start3A_27 = tpu.memref_slice %arg3[%multiple_of3A_23, %dma_start3A_26] : memref<1024x64xi32, #tpu.memory_space<hbm>> -> memref<64x64xi32, #tpu.memory_space<hbm>>
    tpu.enqueue_dma source(%dma_start3A_27 : memref<64x64xi32, #tpu.memory_space<hbm>>) target(%arg6 : memref<64x64xi32, #tpu.memory_space<vmem>>) target_semaphore(%arg13 : memref<!tpu.dma_semaphore, #tpu.memory_space<semaphore_mem>>)
    %add3A_28 = arith.constant 0 : i32
    %add3A_29 = arith.addi %multiple_of3A_3, %add3A_28 : i32
    %dma_start3A_30 = arith.constant 0 : i32
    %dma_start3A_31 = tpu.memref_slice %arg5[%add3A_29, %dma_start3A_30] : memref<8192x128xf32, #tpu.memory_space<vmem_shared>> -> memref<64x128xf32, #tpu.memory_space<vmem_shared>>
    %dma_start3A_32 = arith.constant 0 : i32
    %dma_start3A_33 = tpu.memref_slice %arg5[%add3A_29, %dma_start3A_32] : memref<8192x128xf32, #tpu.memory_space<vmem_shared>> -> memref<64x128xf32, #tpu.memory_space<vmem_shared>>
    tpu.enqueue_dma source(%arg7 : memref<64x128xf32, #tpu.memory_space<vmem>>) target(%dma_start3A_33 : memref<64x128xf32, #tpu.memory_space<vmem_shared>>) target_semaphore(%arg12 : memref<!tpu.dma_semaphore, #tpu.memory_space<semaphore_mem>>)
    %add3A_34 = arith.constant 64 : i32
    %add3A_35 = arith.addi %multiple_of3A_3, %add3A_34 : i32
    %dma_start3A_36 = arith.constant 0 : i32
    %dma_start3A_37 = tpu.memref_slice %arg5[%add3A_35, %dma_start3A_36] : memref<8192x128xf32, #tpu.memory_space<vmem_shared>> -> memref<64x128xf32, #tpu.memory_space<vmem_shared>>
    %dma_start3A_38 = arith.constant 0 : i32
    %dma_start3A_39 = tpu.memref_slice %arg5[%add3A_35, %dma_start3A_38] : memref<8192x128xf32, #tpu.memory_space<vmem_shared>> -> memref<64x128xf32, #tpu.memory_space<vmem_shared>>
    tpu.enqueue_dma source(%arg7 : memref<64x128xf32, #tpu.memory_space<vmem>>) target(%dma_start3A_39 : memref<64x128xf32, #tpu.memory_space<vmem_shared>>) target_semaphore(%arg12 : memref<!tpu.dma_semaphore, #tpu.memory_space<semaphore_mem>>)
    %add3A_40 = arith.constant 128 : i32
    %add3A_41 = arith.addi %multiple_of3A_3, %add3A_40 : i32
    %dma_start3A_42 = arith.constant 0 : i32
    %dma_start3A_43 = tpu.memref_slice %arg5[%add3A_41, %dma_start3A_42] : memref<8192x128xf32, #tpu.memory_space<vmem_shared>> -> memref<64x128xf32, #tpu.memory_space<vmem_shared>>
    %dma_start3A_44 = arith.constant 0 : i32
    %dma_start3A_45 = tpu.memref_slice %arg5[%add3A_41, %dma_start3A_44] : memref<8192x128xf32, #tpu.memory_space<vmem_shared>> -> memref<64x128xf32, #tpu.memory_space<vmem_shared>>
    tpu.enqueue_dma source(%arg7 : memref<64x128xf32, #tpu.memory_space<vmem>>) target(%dma_start3A_45 : memref<64x128xf32, #tpu.memory_space<vmem_shared>>) target_semaphore(%arg12 : memref<!tpu.dma_semaphore, #tpu.memory_space<semaphore_mem>>)
    %add3A_46 = arith.constant 192 : i32
    %add3A_47 = arith.addi %multiple_of3A_3, %add3A_46 : i32
    %dma_start3A_48 = arith.constant 0 : i32
    %dma_start3A_49 = tpu.memref_slice %arg5[%add3A_47, %dma_start3A_48] : memref<8192x128xf32, #tpu.memory_space<vmem_shared>> -> memref<64x128xf32, #tpu.memory_space<vmem_shared>>
    %dma_start3A_50 = arith.constant 0 : i32
    %dma_start3A_51 = tpu.memref_slice %arg5[%add3A_47, %dma_start3A_50] : memref<8192x128xf32, #tpu.memory_space<vmem_shared>> -> memref<64x128xf32, #tpu.memory_space<vmem_shared>>
    tpu.enqueue_dma source(%arg7 : memref<64x128xf32, #tpu.memory_space<vmem>>) target(%dma_start3A_51 : memref<64x128xf32, #tpu.memory_space<vmem_shared>>) target_semaphore(%arg12 : memref<!tpu.dma_semaphore, #tpu.memory_space<semaphore_mem>>)
    %add3A_52 = arith.constant 256 : i32
    %add3A_53 = arith.addi %multiple_of3A_3, %add3A_52 : i32
    %dma_start3A_54 = arith.constant 0 : i32
    %dma_start3A_55 = tpu.memref_slice %arg5[%add3A_53, %dma_start3A_54] : memref<8192x128xf32, #tpu.memory_space<vmem_shared>> -> memref<64x128xf32, #tpu.memory_space<vmem_shared>>
    %dma_start3A_56 = arith.constant 0 : i32
    %dma_start3A_57 = tpu.memref_slice %arg5[%add3A_53, %dma_start3A_56] : memref<8192x128xf32, #tpu.memory_space<vmem_shared>> -> memref<64x128xf32, #tpu.memory_space<vmem_shared>>
    tpu.enqueue_dma source(%arg7 : memref<64x128xf32, #tpu.memory_space<vmem>>) target(%dma_start3A_57 : memref<64x128xf32, #tpu.memory_space<vmem_shared>>) target_semaphore(%arg12 : memref<!tpu.dma_semaphore, #tpu.memory_space<semaphore_mem>>)
    %add3A_58 = arith.constant 320 : i32
    %add3A_59 = arith.addi %multiple_of3A_3, %add3A_58 : i32
    %dma_start3A_60 = arith.constant 0 : i32
    %dma_start3A_61 = tpu.memref_slice %arg5[%add3A_59, %dma_start3A_60] : memref<8192x128xf32, #tpu.memory_space<vmem_shared>> -> memref<64x128xf32, #tpu.memory_space<vmem_shared>>
    %dma_start3A_62 = arith.constant 0 : i32
    %dma_start3A_63 = tpu.memref_slice %arg5[%add3A_59, %dma_start3A_62] : memref<8192x128xf32, #tpu.memory_space<vmem_shared>> -> memref<64x128xf32, #tpu.memory_space<vmem_shared>>
    tpu.enqueue_dma source(%arg7 : memref<64x128xf32, #tpu.memory_space<vmem>>) target(%dma_start3A_63 : memref<64x128xf32, #tpu.memory_space<vmem_shared>>) target_semaphore(%arg12 : memref<!tpu.dma_semaphore, #tpu.memory_space<semaphore_mem>>)
    %add3A_64 = arith.constant 384 : i32
    %add3A_65 = arith.addi %multiple_of3A_3, %add3A_64 : i32
    %dma_start3A_66 = arith.constant 0 : i32
    %dma_start3A_67 = tpu.memref_slice %arg5[%add3A_65, %dma_start3A_66] : memref<8192x128xf32, #tpu.memory_space<vmem_shared>> -> memref<64x128xf32, #tpu.memory_space<vmem_shared>>
    %dma_start3A_68 = arith.constant 0 : i32
    %dma_start3A_69 = tpu.memref_slice %arg5[%add3A_65, %dma_start3A_68] : memref<8192x128xf32, #tpu.memory_space<vmem_shared>> -> memref<64x128xf32, #tpu.memory_space<vmem_shared>>
    tpu.enqueue_dma source(%arg7 : memref<64x128xf32, #tpu.memory_space<vmem>>) target(%dma_start3A_69 : memref<64x128xf32, #tpu.memory_space<vmem_shared>>) target_semaphore(%arg12 : memref<!tpu.dma_semaphore, #tpu.memory_space<semaphore_mem>>)
    %add3A_70 = arith.constant 448 : i32
    %add3A_71 = arith.addi %multiple_of3A_3, %add3A_70 : i32
    %dma_start3A_72 = arith.constant 0 : i32
    %dma_start3A_73 = tpu.memref_slice %arg5[%add3A_71, %dma_start3A_72] : memref<8192x128xf32, #tpu.memory_space<vmem_shared>> -> memref<64x128xf32, #tpu.memory_space<vmem_shared>>
    %dma_start3A_74 = arith.constant 0 : i32
    %dma_start3A_75 = tpu.memref_slice %arg5[%add3A_71, %dma_start3A_74] : memref<8192x128xf32, #tpu.memory_space<vmem_shared>> -> memref<64x128xf32, #tpu.memory_space<vmem_shared>>
    tpu.enqueue_dma source(%arg7 : memref<64x128xf32, #tpu.memory_space<vmem>>) target(%dma_start3A_75 : memref<64x128xf32, #tpu.memory_space<vmem_shared>>) target_semaphore(%arg12 : memref<!tpu.dma_semaphore, #tpu.memory_space<semaphore_mem>>)
    %dma_wait3A = arith.constant 0 : i32
    %dma_wait3A_76 = tpu.memref_slice %arg5[%multiple_of3A_3, %dma_wait3A] : memref<8192x128xf32, #tpu.memory_space<vmem_shared>> -> memref<64x128xf32, #tpu.memory_space<vmem_shared>>
    %dma_wait3A_77 = arith.constant 0 : i32
    %dma_wait3A_78 = tpu.memref_slice %arg5[%multiple_of3A_3, %dma_wait3A_77] : memref<8192x128xf32, #tpu.memory_space<vmem_shared>> -> memref<64x128xf32, #tpu.memory_space<vmem_shared>>
    tpu.wait_dma2 semaphore(%arg12 : memref<!tpu.dma_semaphore, #tpu.memory_space<semaphore_mem>>) src(%arg7 : memref<64x128xf32, #tpu.memory_space<vmem>>) dst(%dma_wait3A_78 : memref<64x128xf32, #tpu.memory_space<vmem_shared>>)
    %dma_wait3A_79 = arith.constant 0 : i32
    %dma_wait3A_80 = tpu.memref_slice %arg5[%multiple_of3A_3, %dma_wait3A_79] : memref<8192x128xf32, #tpu.memory_space<vmem_shared>> -> memref<64x128xf32, #tpu.memory_space<vmem_shared>>
    %dma_wait3A_81 = arith.constant 0 : i32
    %dma_wait3A_82 = tpu.memref_slice %arg5[%multiple_of3A_3, %dma_wait3A_81] : memref<8192x128xf32, #tpu.memory_space<vmem_shared>> -> memref<64x128xf32, #tpu.memory_space<vmem_shared>>
    tpu.wait_dma2 semaphore(%arg12 : memref<!tpu.dma_semaphore, #tpu.memory_space<semaphore_mem>>) src(%arg7 : memref<64x128xf32, #tpu.memory_space<vmem>>) dst(%dma_wait3A_82 : memref<64x128xf32, #tpu.memory_space<vmem_shared>>)
    %dma_wait3A_83 = arith.constant 0 : i32
    %dma_wait3A_84 = tpu.memref_slice %arg5[%multiple_of3A_3, %dma_wait3A_83] : memref<8192x128xf32, #tpu.memory_space<vmem_shared>> -> memref<64x128xf32, #tpu.memory_space<vmem_shared>>
    %dma_wait3A_85 = arith.constant 0 : i32
    %dma_wait3A_86 = tpu.memref_slice %arg5[%multiple_of3A_3, %dma_wait3A_85] : memref<8192x128xf32, #tpu.memory_space<vmem_shared>> -> memref<64x128xf32, #tpu.memory_space<vmem_shared>>
    tpu.wait_dma2 semaphore(%arg12 : memref<!tpu.dma_semaphore, #tpu.memory_space<semaphore_mem>>) src(%arg7 : memref<64x128xf32, #tpu.memory_space<vmem>>) dst(%dma_wait3A_86 : memref<64x128xf32, #tpu.memory_space<vmem_shared>>)
    %dma_wait3A_87 = arith.constant 0 : i32
    %dma_wait3A_88 = tpu.memref_slice %arg5[%multiple_of3A_3, %dma_wait3A_87] : memref<8192x128xf32, #tpu.memory_space<vmem_shared>> -> memref<64x128xf32, #tpu.memory_space<vmem_shared>>
    %dma_wait3A_89 = arith.constant 0 : i32
    %dma_wait3A_90 = tpu.memref_slice %arg5[%multiple_of3A_3, %dma_wait3A_89] : memref<8192x128xf32, #tpu.memory_space<vmem_shared>> -> memref<64x128xf32, #tpu.memory_space<vmem_shared>>
    tpu.wait_dma2 semaphore(%arg12 : memref<!tpu.dma_semaphore, #tpu.memory_space<semaphore_mem>>) src(%arg7 : memref<64x128xf32, #tpu.memory_space<vmem>>) dst(%dma_wait3A_90 : memref<64x128xf32, #tpu.memory_space<vmem_shared>>)
    %dma_wait3A_91 = arith.constant 0 : i32
    %dma_wait3A_92 = tpu.memref_slice %arg5[%multiple_of3A_3, %dma_wait3A_91] : memref<8192x128xf32, #tpu.memory_space<vmem_shared>> -> memref<64x128xf32, #tpu.memory_space<vmem_shared>>
    %dma_wait3A_93 = arith.constant 0 : i32
    %dma_wait3A_94 = tpu.memref_slice %arg5[%multiple_of3A_3, %dma_wait3A_93] : memref<8192x128xf32, #tpu.memory_space<vmem_shared>> -> memref<64x128xf32, #tpu.memory_space<vmem_shared>>
    tpu.wait_dma2 semaphore(%arg12 : memref<!tpu.dma_semaphore, #tpu.memory_space<semaphore_mem>>) src(%arg7 : memref<64x128xf32, #tpu.memory_space<vmem>>) dst(%dma_wait3A_94 : memref<64x128xf32, #tpu.memory_space<vmem_shared>>)
    %dma_wait3A_95 = arith.constant 0 : i32
    %dma_wait3A_96 = tpu.memref_slice %arg5[%multiple_of3A_3, %dma_wait3A_95] : memref<8192x128xf32, #tpu.memory_space<vmem_shared>> -> memref<64x128xf32, #tpu.memory_space<vmem_shared>>
    %dma_wait3A_97 = arith.constant 0 : i32
    %dma_wait3A_98 = tpu.memref_slice %arg5[%multiple_of3A_3, %dma_wait3A_97] : memref<8192x128xf32, #tpu.memory_space<vmem_shared>> -> memref<64x128xf32, #tpu.memory_space<vmem_shared>>
    tpu.wait_dma2 semaphore(%arg12 : memref<!tpu.dma_semaphore, #tpu.memory_space<semaphore_mem>>) src(%arg7 : memref<64x128xf32, #tpu.memory_space<vmem>>) dst(%dma_wait3A_98 : memref<64x128xf32, #tpu.memory_space<vmem_shared>>)
    %dma_wait3A_99 = arith.constant 0 : i32
    %dma_wait3A_100 = tpu.memref_slice %arg5[%multiple_of3A_3, %dma_wait3A_99] : memref<8192x128xf32, #tpu.memory_space<vmem_shared>> -> memref<64x128xf32, #tpu.memory_space<vmem_shared>>
    %dma_wait3A_101 = arith.constant 0 : i32
    %dma_wait3A_102 = tpu.memref_slice %arg5[%multiple_of3A_3, %dma_wait3A_101] : memref<8192x128xf32, #tpu.memory_space<vmem_shared>> -> memref<64x128xf32, #tpu.memory_space<vmem_shared>>
    tpu.wait_dma2 semaphore(%arg12 : memref<!tpu.dma_semaphore, #tpu.memory_space<semaphore_mem>>) src(%arg7 : memref<64x128xf32, #tpu.memory_space<vmem>>) dst(%dma_wait3A_102 : memref<64x128xf32, #tpu.memory_space<vmem_shared>>)
    %dma_wait3A_103 = arith.constant 0 : i32
    %dma_wait3A_104 = tpu.memref_slice %arg5[%multiple_of3A_3, %dma_wait3A_103] : memref<8192x128xf32, #tpu.memory_space<vmem_shared>> -> memref<64x128xf32, #tpu.memory_space<vmem_shared>>
    %dma_wait3A_105 = arith.constant 0 : i32
    %dma_wait3A_106 = tpu.memref_slice %arg5[%multiple_of3A_3, %dma_wait3A_105] : memref<8192x128xf32, #tpu.memory_space<vmem_shared>> -> memref<64x128xf32, #tpu.memory_space<vmem_shared>>
    tpu.wait_dma2 semaphore(%arg12 : memref<!tpu.dma_semaphore, #tpu.memory_space<semaphore_mem>>) src(%arg7 : memref<64x128xf32, #tpu.memory_space<vmem>>) dst(%dma_wait3A_106 : memref<64x128xf32, #tpu.memory_space<vmem_shared>>)
    %mul3A_107 = arith.constant 64 : i32
    %mul3A_108 = arith.muli %arg1, %mul3A_107 : i32
    %multiple_of3A_109 = tpu.assume_multiple %mul3A_108, 64 : i32
    %dma_wait3A_110 = arith.constant 0 : i32
    %dma_wait3A_111 = tpu.memref_slice %arg3[%multiple_of3A_109, %dma_wait3A_110] : memref<1024x64xi32, #tpu.memory_space<hbm>> -> memref<64x64xi32, #tpu.memory_space<hbm>>
    %dma_wait3A_112 = arith.constant 0 : i32
    %dma_wait3A_113 = tpu.memref_slice %arg3[%multiple_of3A_109, %dma_wait3A_112] : memref<1024x64xi32, #tpu.memory_space<hbm>> -> memref<64x64xi32, #tpu.memory_space<hbm>>
    tpu.wait_dma2 semaphore(%arg13 : memref<!tpu.dma_semaphore, #tpu.memory_space<semaphore_mem>>) src(%dma_wait3A_113 : memref<64x64xi32, #tpu.memory_space<hbm>>) dst(%arg6 : memref<64x64xi32, #tpu.memory_space<vmem>>)
    %barrier3A = arith.constant 0 : index
    tpu.barrier barrier_id(%barrier3A)
    %scan3A_114 = arith.constant 0 : i32
    %scan3A_115 = arith.constant 0 : i32
    %scan3A_116 = arith.constant 16 : i32
    %scan3A_117 = arith.addi %scan3A_115, %scan3A_116 : i32
    %scan3A_118 = arith.constant 1 : i32
    scf.for %scan3A_121 = %scan3A_115 to %scan3A_117 step %scan3A_118  : i32 {
      %mul3A_122 = arith.constant 2 : i32
      %mul3A_123 = arith.muli %scan3A_121, %mul3A_122 : i32
      %add3A_124 = arith.constant 0 : i32
      %add3A_125 = arith.addi %mul3A_123, %add3A_124 : i32
      %dma_wait3A_126 = tpu.memref_slice %arg2[%multiple_of3A_6, %multiple_of3A] : memref<65536x256xf32, #tpu.memory_space<hbm>> -> memref<128x128xf32, #tpu.memory_space<hbm>>
      %dma_wait3A_127 = tpu.memref_slice %arg2[%multiple_of3A_6, %multiple_of3A] : memref<65536x256xf32, #tpu.memory_space<hbm>> -> memref<128x128xf32, #tpu.memory_space<hbm>>
      tpu.wait_dma2 semaphore(%arg10 : memref<!tpu.dma_semaphore, #tpu.memory_space<semaphore_mem>>) src(%dma_wait3A_127 : memref<128x128xf32, #tpu.memory_space<hbm>>) dst(%arg8 : memref<128x128xf32, #tpu.memory_space<vmem>>)
      %mul3A_128 = arith.constant 2 : i32
      %mul3A_129 = arith.muli %mul3A_128, %add3A_125 : i32
      %add3A_130 = arith.constant 0 : i32
      %add3A_131 = arith.addi %mul3A_129, %add3A_130 : i32
      "tpu.region"() ({
        %run_scoped3A = tpu.sem_alloc : memref<!tpu.dma_semaphore, #tpu.memory_space<semaphore_mem>>
        %dma_start3A_157 = arith.constant 0 : i32
        %dma_start3A_158 = arith.constant 0 : i32
        %dma_start3A_159 = tpu.memref_slice %arg8[%dma_start3A_157, %dma_start3A_158] : memref<128x128xf32, #tpu.memory_space<vmem>> -> memref<64x128xf32, #tpu.memory_space<vmem>>
        %dma_start3A_160 = arith.constant 0 : i32
        %dma_start3A_161 = tpu.memref_slice %arg6[%add3A_131, %dma_start3A_160] : memref<64x64xi32, #tpu.memory_space<vmem>> -> memref<1x64xi32, #tpu.memory_space<vmem>>
        %dma_start3A_162 = tpu.memref_squeeze %dma_start3A_161 : memref<1x64xi32, #tpu.memory_space<vmem>> -> memref<64xi32, #tpu.memory_space<vmem>>
        %dma_start3A_163 = arith.constant 0 : i32
        %dma_start3A_164 = arith.constant 0 : i32
        %dma_start3A_165 = tpu.memref_slice %arg5[%dma_start3A_163, %dma_start3A_164] : memref<8192x128xf32, #tpu.memory_space<vmem_shared>> -> memref<8192x128xf32, #tpu.memory_space<vmem_shared>>
        tpu.enqueue_indirect_dma source(%dma_start3A_159 : memref<64x128xf32, #tpu.memory_space<vmem>>) target(%dma_start3A_165 : memref<8192x128xf32, #tpu.memory_space<vmem_shared>>) offsets(%dma_start3A_162 : memref<64xi32, #tpu.memory_space<vmem>>) semaphore(%run_scoped3A : memref<!tpu.dma_semaphore, #tpu.memory_space<semaphore_mem>>) {add = true}
        %dma_wait3A_166 = arith.constant 0 : i32
        %dma_wait3A_167 = arith.constant 0 : i32
        %dma_wait3A_168 = tpu.memref_slice %arg8[%dma_wait3A_166, %dma_wait3A_167] : memref<128x128xf32, #tpu.memory_space<vmem>> -> memref<64x128xf32, #tpu.memory_space<vmem>>
        %dma_wait3A_169 = arith.constant 0 : i32
        %dma_wait3A_170 = tpu.memref_slice %arg6[%add3A_131, %dma_wait3A_169] : memref<64x64xi32, #tpu.memory_space<vmem>> -> memref<1x64xi32, #tpu.memory_space<vmem>>
        %dma_wait3A_171 = tpu.memref_squeeze %dma_wait3A_170 : memref<1x64xi32, #tpu.memory_space<vmem>> -> memref<64xi32, #tpu.memory_space<vmem>>
        %dma_wait3A_172 = arith.constant 0 : i32
        %dma_wait3A_173 = arith.constant 0 : i32
        %dma_wait3A_174 = tpu.memref_slice %arg5[%dma_wait3A_172, %dma_wait3A_173] : memref<8192x128xf32, #tpu.memory_space<vmem_shared>> -> memref<8192x128xf32, #tpu.memory_space<vmem_shared>>
        tpu.wait_indirect_dma semaphore(%run_scoped3A : memref<!tpu.dma_semaphore, #tpu.memory_space<semaphore_mem>>) src(%dma_wait3A_168 : memref<64x128xf32, #tpu.memory_space<vmem>>) dst(%dma_wait3A_174 : memref<8192x128xf32, #tpu.memory_space<vmem_shared>>)
        tpu.yield
      }) : () -> ()
      %mul3A_132 = arith.constant 2 : i32
      %mul3A_133 = arith.muli %mul3A_132, %add3A_125 : i32
      %add3A_134 = arith.constant 1 : i32
      %add3A_135 = arith.addi %mul3A_133, %add3A_134 : i32
      "tpu.region"() ({
        %run_scoped3A = tpu.sem_alloc : memref<!tpu.dma_semaphore, #tpu.memory_space<semaphore_mem>>
        %dma_start3A_157 = arith.constant 64 : i32
        %dma_start3A_158 = arith.constant 0 : i32
        %dma_start3A_159 = tpu.memref_slice %arg8[%dma_start3A_157, %dma_start3A_158] : memref<128x128xf32, #tpu.memory_space<vmem>> -> memref<64x128xf32, #tpu.memory_space<vmem>>
        %dma_start3A_160 = arith.constant 0 : i32
        %dma_start3A_161 = tpu.memref_slice %arg6[%add3A_135, %dma_start3A_160] : memref<64x64xi32, #tpu.memory_space<vmem>> -> memref<1x64xi32, #tpu.memory_space<vmem>>
        %dma_start3A_162 = tpu.memref_squeeze %dma_start3A_161 : memref<1x64xi32, #tpu.memory_space<vmem>> -> memref<64xi32, #tpu.memory_space<vmem>>
        %dma_start3A_163 = arith.constant 0 : i32
        %dma_start3A_164 = arith.constant 0 : i32
        %dma_start3A_165 = tpu.memref_slice %arg5[%dma_start3A_163, %dma_start3A_164] : memref<8192x128xf32, #tpu.memory_space<vmem_shared>> -> memref<8192x128xf32, #tpu.memory_space<vmem_shared>>
        tpu.enqueue_indirect_dma source(%dma_start3A_159 : memref<64x128xf32, #tpu.memory_space<vmem>>) target(%dma_start3A_165 : memref<8192x128xf32, #tpu.memory_space<vmem_shared>>) offsets(%dma_start3A_162 : memref<64xi32, #tpu.memory_space<vmem>>) semaphore(%run_scoped3A : memref<!tpu.dma_semaphore, #tpu.memory_space<semaphore_mem>>) {add = true}
        %dma_wait3A_166 = arith.constant 64 : i32
        %dma_wait3A_167 = arith.constant 0 : i32
        %dma_wait3A_168 = tpu.memref_slice %arg8[%dma_wait3A_166, %dma_wait3A_167] : memref<128x128xf32, #tpu.memory_space<vmem>> -> memref<64x128xf32, #tpu.memory_space<vmem>>
        %dma_wait3A_169 = arith.constant 0 : i32
        %dma_wait3A_170 = tpu.memref_slice %arg6[%add3A_135, %dma_wait3A_169] : memref<64x64xi32, #tpu.memory_space<vmem>> -> memref<1x64xi32, #tpu.memory_space<vmem>>
        %dma_wait3A_171 = tpu.memref_squeeze %dma_wait3A_170 : memref<1x64xi32, #tpu.memory_space<vmem>> -> memref<64xi32, #tpu.memory_space<vmem>>
        %dma_wait3A_172 = arith.constant 0 : i32
        %dma_wait3A_173 = arith.constant 0 : i32
        %dma_wait3A_174 = tpu.memref_slice %arg5[%dma_wait3A_172, %dma_wait3A_173] : memref<8192x128xf32, #tpu.memory_space<vmem_shared>> -> memref<8192x128xf32, #tpu.memory_space<vmem_shared>>
        tpu.wait_indirect_dma semaphore(%run_scoped3A : memref<!tpu.dma_semaphore, #tpu.memory_space<semaphore_mem>>) src(%dma_wait3A_168 : memref<64x128xf32, #tpu.memory_space<vmem>>) dst(%dma_wait3A_174 : memref<8192x128xf32, #tpu.memory_space<vmem_shared>>)
        tpu.yield
      }) : () -> ()
      %lt3A = arith.constant 15 : i32
      %lt3A_136 = arith.cmpi slt, %scan3A_121, %lt3A : i32
      %convert_element_type3A = arith.extui %lt3A_136 : i1 to i32
      %cond3A = arith.constant 0 : i32
      %cond3A_137 = arith.cmpi ne, %convert_element_type3A, %cond3A : i32
      scf.if %cond3A_137 {
        %add3A_157 = arith.constant 2 : i32
        %add3A_158 = arith.addi %add3A_125, %add3A_157 : i32
        %mul3A_159 = arith.constant 128 : i32
        %mul3A_160 = arith.muli %add3A_158, %mul3A_159 : i32
        %add3A_161 = arith.addi %multiple_of3A_6, %mul3A_160 : i32
        %multiple_of3A_162 = tpu.assume_multiple %add3A_161, 128 : i32
        %dma_start3A_163 = tpu.memref_slice %arg2[%multiple_of3A_162, %multiple_of3A] : memref<65536x256xf32, #tpu.memory_space<hbm>> -> memref<128x128xf32, #tpu.memory_space<hbm>>
        %dma_start3A_164 = tpu.memref_slice %arg2[%multiple_of3A_162, %multiple_of3A] : memref<65536x256xf32, #tpu.memory_space<hbm>> -> memref<128x128xf32, #tpu.memory_space<hbm>>
        tpu.enqueue_dma source(%dma_start3A_164 : memref<128x128xf32, #tpu.memory_space<hbm>>) target(%arg8 : memref<128x128xf32, #tpu.memory_space<vmem>>) target_semaphore(%arg10 : memref<!tpu.dma_semaphore, #tpu.memory_space<semaphore_mem>>)
      } else {
      }
      %mul3A_138 = arith.constant 2 : i32
      %mul3A_139 = arith.muli %scan3A_121, %mul3A_138 : i32
      %add3A_140 = arith.constant 1 : i32
      %add3A_141 = arith.addi %mul3A_139, %add3A_140 : i32
      %dma_wait3A_142 = tpu.memref_slice %arg2[%multiple_of3A_6, %multiple_of3A] : memref<65536x256xf32, #tpu.memory_space<hbm>> -> memref<128x128xf32, #tpu.memory_space<hbm>>
      %dma_wait3A_143 = tpu.memref_slice %arg2[%multiple_of3A_6, %multiple_of3A] : memref<65536x256xf32, #tpu.memory_space<hbm>> -> memref<128x128xf32, #tpu.memory_space<hbm>>
      tpu.wait_dma2 semaphore(%arg11 : memref<!tpu.dma_semaphore, #tpu.memory_space<semaphore_mem>>) src(%dma_wait3A_143 : memref<128x128xf32, #tpu.memory_space<hbm>>) dst(%arg9 : memref<128x128xf32, #tpu.memory_space<vmem>>)
      %mul3A_144 = arith.constant 2 : i32
      %mul3A_145 = arith.muli %mul3A_144, %add3A_141 : i32
      %add3A_146 = arith.constant 0 : i32
      %add3A_147 = arith.addi %mul3A_145, %add3A_146 : i32
      "tpu.region"() ({
        %run_scoped3A = tpu.sem_alloc : memref<!tpu.dma_semaphore, #tpu.memory_space<semaphore_mem>>
        %dma_start3A_157 = arith.constant 0 : i32
        %dma_start3A_158 = arith.constant 0 : i32
        %dma_start3A_159 = tpu.memref_slice %arg9[%dma_start3A_157, %dma_start3A_158] : memref<128x128xf32, #tpu.memory_space<vmem>> -> memref<64x128xf32, #tpu.memory_space<vmem>>
        %dma_start3A_160 = arith.constant 0 : i32
        %dma_start3A_161 = tpu.memref_slice %arg6[%add3A_147, %dma_start3A_160] : memref<64x64xi32, #tpu.memory_space<vmem>> -> memref<1x64xi32, #tpu.memory_space<vmem>>
        %dma_start3A_162 = tpu.memref_squeeze %dma_start3A_161 : memref<1x64xi32, #tpu.memory_space<vmem>> -> memref<64xi32, #tpu.memory_space<vmem>>
        %dma_start3A_163 = arith.constant 0 : i32
        %dma_start3A_164 = arith.constant 0 : i32
        %dma_start3A_165 = tpu.memref_slice %arg5[%dma_start3A_163, %dma_start3A_164] : memref<8192x128xf32, #tpu.memory_space<vmem_shared>> -> memref<8192x128xf32, #tpu.memory_space<vmem_shared>>
        tpu.enqueue_indirect_dma source(%dma_start3A_159 : memref<64x128xf32, #tpu.memory_space<vmem>>) target(%dma_start3A_165 : memref<8192x128xf32, #tpu.memory_space<vmem_shared>>) offsets(%dma_start3A_162 : memref<64xi32, #tpu.memory_space<vmem>>) semaphore(%run_scoped3A : memref<!tpu.dma_semaphore, #tpu.memory_space<semaphore_mem>>) {add = true}
        %dma_wait3A_166 = arith.constant 0 : i32
        %dma_wait3A_167 = arith.constant 0 : i32
        %dma_wait3A_168 = tpu.memref_slice %arg9[%dma_wait3A_166, %dma_wait3A_167] : memref<128x128xf32, #tpu.memory_space<vmem>> -> memref<64x128xf32, #tpu.memory_space<vmem>>
        %dma_wait3A_169 = arith.constant 0 : i32
        %dma_wait3A_170 = tpu.memref_slice %arg6[%add3A_147, %dma_wait3A_169] : memref<64x64xi32, #tpu.memory_space<vmem>> -> memref<1x64xi32, #tpu.memory_space<vmem>>
        %dma_wait3A_171 = tpu.memref_squeeze %dma_wait3A_170 : memref<1x64xi32, #tpu.memory_space<vmem>> -> memref<64xi32, #tpu.memory_space<vmem>>
        %dma_wait3A_172 = arith.constant 0 : i32
        %dma_wait3A_173 = arith.constant 0 : i32
        %dma_wait3A_174 = tpu.memref_slice %arg5[%dma_wait3A_172, %dma_wait3A_173] : memref<8192x128xf32, #tpu.memory_space<vmem_shared>> -> memref<8192x128xf32, #tpu.memory_space<vmem_shared>>
        tpu.wait_indirect_dma semaphore(%run_scoped3A : memref<!tpu.dma_semaphore, #tpu.memory_space<semaphore_mem>>) src(%dma_wait3A_168 : memref<64x128xf32, #tpu.memory_space<vmem>>) dst(%dma_wait3A_174 : memref<8192x128xf32, #tpu.memory_space<vmem_shared>>)
        tpu.yield
      }) : () -> ()
      %mul3A_148 = arith.constant 2 : i32
      %mul3A_149 = arith.muli %mul3A_148, %add3A_141 : i32
      %add3A_150 = arith.constant 1 : i32
      %add3A_151 = arith.addi %mul3A_149, %add3A_150 : i32
      "tpu.region"() ({
        %run_scoped3A = tpu.sem_alloc : memref<!tpu.dma_semaphore, #tpu.memory_space<semaphore_mem>>
        %dma_start3A_157 = arith.constant 64 : i32
        %dma_start3A_158 = arith.constant 0 : i32
        %dma_start3A_159 = tpu.memref_slice %arg9[%dma_start3A_157, %dma_start3A_158] : memref<128x128xf32, #tpu.memory_space<vmem>> -> memref<64x128xf32, #tpu.memory_space<vmem>>
        %dma_start3A_160 = arith.constant 0 : i32
        %dma_start3A_161 = tpu.memref_slice %arg6[%add3A_151, %dma_start3A_160] : memref<64x64xi32, #tpu.memory_space<vmem>> -> memref<1x64xi32, #tpu.memory_space<vmem>>
        %dma_start3A_162 = tpu.memref_squeeze %dma_start3A_161 : memref<1x64xi32, #tpu.memory_space<vmem>> -> memref<64xi32, #tpu.memory_space<vmem>>
        %dma_start3A_163 = arith.constant 0 : i32
        %dma_start3A_164 = arith.constant 0 : i32
        %dma_start3A_165 = tpu.memref_slice %arg5[%dma_start3A_163, %dma_start3A_164] : memref<8192x128xf32, #tpu.memory_space<vmem_shared>> -> memref<8192x128xf32, #tpu.memory_space<vmem_shared>>
        tpu.enqueue_indirect_dma source(%dma_start3A_159 : memref<64x128xf32, #tpu.memory_space<vmem>>) target(%dma_start3A_165 : memref<8192x128xf32, #tpu.memory_space<vmem_shared>>) offsets(%dma_start3A_162 : memref<64xi32, #tpu.memory_space<vmem>>) semaphore(%run_scoped3A : memref<!tpu.dma_semaphore, #tpu.memory_space<semaphore_mem>>) {add = true}
        %dma_wait3A_166 = arith.constant 64 : i32
        %dma_wait3A_167 = arith.constant 0 : i32
        %dma_wait3A_168 = tpu.memref_slice %arg9[%dma_wait3A_166, %dma_wait3A_167] : memref<128x128xf32, #tpu.memory_space<vmem>> -> memref<64x128xf32, #tpu.memory_space<vmem>>
        %dma_wait3A_169 = arith.constant 0 : i32
        %dma_wait3A_170 = tpu.memref_slice %arg6[%add3A_151, %dma_wait3A_169] : memref<64x64xi32, #tpu.memory_space<vmem>> -> memref<1x64xi32, #tpu.memory_space<vmem>>
        %dma_wait3A_171 = tpu.memref_squeeze %dma_wait3A_170 : memref<1x64xi32, #tpu.memory_space<vmem>> -> memref<64xi32, #tpu.memory_space<vmem>>
        %dma_wait3A_172 = arith.constant 0 : i32
        %dma_wait3A_173 = arith.constant 0 : i32
        %dma_wait3A_174 = tpu.memref_slice %arg5[%dma_wait3A_172, %dma_wait3A_173] : memref<8192x128xf32, #tpu.memory_space<vmem_shared>> -> memref<8192x128xf32, #tpu.memory_space<vmem_shared>>
        tpu.wait_indirect_dma semaphore(%run_scoped3A : memref<!tpu.dma_semaphore, #tpu.memory_space<semaphore_mem>>) src(%dma_wait3A_168 : memref<64x128xf32, #tpu.memory_space<vmem>>) dst(%dma_wait3A_174 : memref<8192x128xf32, #tpu.memory_space<vmem_shared>>)
        tpu.yield
      }) : () -> ()
      %lt3A_152 = arith.constant 15 : i32
      %lt3A_153 = arith.cmpi slt, %scan3A_121, %lt3A_152 : i32
      %convert_element_type3A_154 = arith.extui %lt3A_153 : i1 to i32
      %cond3A_155 = arith.constant 0 : i32
      %cond3A_156 = arith.cmpi ne, %convert_element_type3A_154, %cond3A_155 : i32
      scf.if %cond3A_156 {
        %add3A_157 = arith.constant 2 : i32
        %add3A_158 = arith.addi %add3A_141, %add3A_157 : i32
        %mul3A_159 = arith.constant 128 : i32
        %mul3A_160 = arith.muli %add3A_158, %mul3A_159 : i32
        %add3A_161 = arith.addi %multiple_of3A_6, %mul3A_160 : i32
        %multiple_of3A_162 = tpu.assume_multiple %add3A_161, 128 : i32
        %dma_start3A_163 = tpu.memref_slice %arg2[%multiple_of3A_162, %multiple_of3A] : memref<65536x256xf32, #tpu.memory_space<hbm>> -> memref<128x128xf32, #tpu.memory_space<hbm>>
        %dma_start3A_164 = tpu.memref_slice %arg2[%multiple_of3A_162, %multiple_of3A] : memref<65536x256xf32, #tpu.memory_space<hbm>> -> memref<128x128xf32, #tpu.memory_space<hbm>>
        tpu.enqueue_dma source(%dma_start3A_164 : memref<128x128xf32, #tpu.memory_space<hbm>>) target(%arg9 : memref<128x128xf32, #tpu.memory_space<vmem>>) target_semaphore(%arg11 : memref<!tpu.dma_semaphore, #tpu.memory_space<semaphore_mem>>)
      } else {
      }
    }
    %scan3A_119 = arith.constant 16 : i32
    %barrier3A_120 = arith.constant 0 : index
    tpu.barrier barrier_id(%barrier3A_120)
    "tpu.region"() ({
      %run_scoped3A = tpu.sem_alloc : memref<!tpu.dma_semaphore, #tpu.memory_space<semaphore_mem>>
      %dma_start3A_121 = tpu.memref_slice %arg4[%multiple_of3A_3, %multiple_of3A] : memref<8192x256xf32, #tpu.memory_space<hbm>> -> memref<512x128xf32, #tpu.memory_space<hbm>>
      %dma_start3A_122 = arith.constant 0 : i32
      %dma_start3A_123 = tpu.memref_slice %arg5[%multiple_of3A_3, %dma_start3A_122] : memref<8192x128xf32, #tpu.memory_space<vmem_shared>> -> memref<512x128xf32, #tpu.memory_space<vmem_shared>>
      tpu.enqueue_dma source(%dma_start3A_123 : memref<512x128xf32, #tpu.memory_space<vmem_shared>>) target(%dma_start3A_121 : memref<512x128xf32, #tpu.memory_space<hbm>>) target_semaphore(%run_scoped3A : memref<!tpu.dma_semaphore, #tpu.memory_space<semaphore_mem>>)
      %dma_wait3A_124 = tpu.memref_slice %arg4[%multiple_of3A_3, %multiple_of3A] : memref<8192x256xf32, #tpu.memory_space<hbm>> -> memref<512x128xf32, #tpu.memory_space<hbm>>
      %dma_wait3A_125 = arith.constant 0 : i32
      %dma_wait3A_126 = tpu.memref_slice %arg5[%multiple_of3A_3, %dma_wait3A_125] : memref<8192x128xf32, #tpu.memory_space<vmem_shared>> -> memref<512x128xf32, #tpu.memory_space<vmem_shared>>
      tpu.wait_dma2 semaphore(%run_scoped3A : memref<!tpu.dma_semaphore, #tpu.memory_space<semaphore_mem>>) src(%dma_wait3A_126 : memref<512x128xf32, #tpu.memory_space<vmem_shared>>) dst(%dma_wait3A_124 : memref<512x128xf32, #tpu.memory_space<hbm>>)
      tpu.yield
    }) : () -> ()
    return
  }
}

module attributes {stable_mosaic.version = 14 : i64} {
  func.func @_finish_body(%arg0: i32, %arg1: memref<2048x256xf32, #tpu.memory_space<vmem>>, %arg2: memref<2048x256xf32, #tpu.memory_space<vmem>>, %arg3: memref<2048x1xf32, #tpu.memory_space<vmem>>, %arg4: memref<2048x256xf32, #tpu.memory_space<vmem>>) attributes {dimension_semantics = [#tpu.dimension_semantics<arbitrary>], iteration_bounds = array<i64: 4>, scalar_prefetch = 0 : i64, scratch_operands = 0 : i64, tpu.core_type = #tpu.core_type<tc>, window_params = [{transform_indices = @transform_0, window_bounds = array<i64: 2048, 256>}, {transform_indices = @transform_1, window_bounds = array<i64: 2048, 256>}, {transform_indices = @transform_2, window_bounds = array<i64: 2048, 1>}, {transform_indices = @transform_3, window_bounds = array<i64: 2048, 256>}]} {
    %get3A = arith.constant 0 : index
    %get3A_0 = arith.constant 0 : index
    %get3A_1 = vector.load %arg1[%get3A, %get3A_0] : memref<2048x256xf32, #tpu.memory_space<vmem>>, vector<2048x256xf32>
    %get3A_2 = arith.constant 0 : index
    %get3A_3 = arith.constant 0 : index
    %get3A_4 = vector.load %arg2[%get3A_2, %get3A_3] : memref<2048x256xf32, #tpu.memory_space<vmem>>, vector<2048x256xf32>
    %get3A_5 = arith.constant 0 : index
    %get3A_6 = arith.constant 0 : index
    %get3A_7 = vector.load %arg3[%get3A_5, %get3A_6] : memref<2048x1xf32, #tpu.memory_space<vmem>>, vector<2048x1xf32>
    %mul3A = arith.mulf %get3A_1, %get3A_1 : vector<2048x256xf32>
    %reduce_sum3A = arith.constant dense<0.000000e+00> : vector<2048xf32>
    %reduce_sum3A_8 = vector.multi_reduction <add>, %mul3A, %reduce_sum3A [1] : vector<2048x256xf32> to vector<2048xf32>
    %broadcast_in_dim3A = vector.shape_cast %reduce_sum3A_8 : vector<2048xf32> to vector<2048x1xf32>
    %sqrt3A = math.sqrt %broadcast_in_dim3A : vector<2048x1xf32>
    %max3A = arith.constant 9.99999996E-13 : f32
    %max3A_9 = vector.broadcast %max3A : f32 to vector<2048x1xf32>
    %max3A_10 = arith.maximumf %sqrt3A, %max3A_9 : vector<2048x1xf32>
    %div3A = vector.broadcast %max3A_10 : vector<2048x1xf32> to vector<2048x256xf32>
    %div3A_11 = arith.divf %get3A_1, %div3A : vector<2048x256xf32>
    %mul3A_12 = arith.constant 9.900000e-01 : f32
    %mul3A_13 = vector.broadcast %mul3A_12 : f32 to vector<2048x256xf32>
    %mul3A_14 = arith.mulf %mul3A_13, %get3A_4 : vector<2048x256xf32>
    %mul3A_15 = arith.constant 0.00999999977 : f32
    %mul3A_16 = vector.broadcast %mul3A_15 : f32 to vector<2048x256xf32>
    %mul3A_17 = arith.mulf %mul3A_16, %div3A_11 : vector<2048x256xf32>
    %add3A = arith.addf %mul3A_14, %mul3A_17 : vector<2048x256xf32>
    %mul3A_18 = arith.mulf %add3A, %add3A : vector<2048x256xf32>
    %reduce_sum3A_19 = arith.constant dense<0.000000e+00> : vector<2048xf32>
    %reduce_sum3A_20 = vector.multi_reduction <add>, %mul3A_18, %reduce_sum3A_19 [1] : vector<2048x256xf32> to vector<2048xf32>
    %broadcast_in_dim3A_21 = vector.shape_cast %reduce_sum3A_20 : vector<2048xf32> to vector<2048x1xf32>
    %sqrt3A_22 = math.sqrt %broadcast_in_dim3A_21 : vector<2048x1xf32>
    %max3A_23 = arith.constant 9.99999996E-13 : f32
    %max3A_24 = vector.broadcast %max3A_23 : f32 to vector<2048x1xf32>
    %max3A_25 = arith.maximumf %sqrt3A_22, %max3A_24 : vector<2048x1xf32>
    %div3A_26 = vector.broadcast %max3A_25 : vector<2048x1xf32> to vector<2048x256xf32>
    %div3A_27 = arith.divf %add3A, %div3A_26 : vector<2048x256xf32>
    %gt3A = arith.constant 0.000000e+00 : f32
    %gt3A_28 = vector.broadcast %gt3A : f32 to vector<2048x1xf32>
    %gt3A_29 = arith.cmpf ogt, %get3A_7, %gt3A_28 : vector<2048x1xf32>
    %broadcast_in_dim3A_30 = vector.shape_cast %gt3A_29 : vector<2048x1xi1> to vector<2048x1xi1>
    %broadcast_in_dim3A_31 = vector.broadcast %broadcast_in_dim3A_30 : vector<2048x1xi1> to vector<2048x256xi1>
    %select_n3A = arith.select %broadcast_in_dim3A_31, %div3A_27, %div3A_11 : vector<2048x256xi1>, vector<2048x256xf32>
    %gt3A_32 = arith.constant 0.000000e+00 : f32
    %gt3A_33 = vector.broadcast %gt3A_32 : f32 to vector<2048x1xf32>
    %gt3A_34 = arith.cmpf ogt, %sqrt3A, %gt3A_33 : vector<2048x1xf32>
    %broadcast_in_dim3A_35 = vector.shape_cast %gt3A_34 : vector<2048x1xi1> to vector<2048x1xi1>
    %broadcast_in_dim3A_36 = vector.broadcast %broadcast_in_dim3A_35 : vector<2048x1xi1> to vector<2048x256xi1>
    %select_n3A_37 = arith.select %broadcast_in_dim3A_36, %select_n3A, %get3A_4 : vector<2048x256xi1>, vector<2048x256xf32>
    %swap3A = arith.constant 0 : index
    %swap3A_38 = arith.constant 0 : index
    %swap3A_39 = vector.load %arg4[%swap3A, %swap3A_38] : memref<2048x256xf32, #tpu.memory_space<vmem>>, vector<2048x256xf32>
    tpu.vector_store %arg4[%swap3A, %swap3A_38], %select_n3A_37 {strides = array<i32>} : memref<2048x256xf32, #tpu.memory_space<vmem>>, vector<2048x256xf32>,
    return
  }
  func.func @transform_0(%arg0: i32) -> (i32, i32) {
    %c0_i32 = arith.constant 0 : i32
    %c0_i32_0 = arith.constant 0 : i32
    return %arg0, %c0_i32 : i32, i32
  }
  func.func @transform_1(%arg0: i32) -> (i32, i32) {
    %c0_i32 = arith.constant 0 : i32
    %c0_i32_0 = arith.constant 0 : i32
    return %arg0, %c0_i32 : i32, i32
  }
  func.func @transform_2(%arg0: i32) -> (i32, i32) {
    %c0_i32 = arith.constant 0 : i32
    %c0_i32_0 = arith.constant 0 : i32
    return %arg0, %c0_i32 : i32, i32
  }
  func.func @transform_3(%arg0: i32) -> (i32, i32) {
    %c0_i32 = arith.constant 0 : i32
    %c0_i32_0 = arith.constant 0 : i32
    return %arg0, %c0_i32 : i32, i32
  }
}

</mosaic_0001>

<sc_bundles>
// kernel: kernel.4.cloned.1.call-start
scs
__scs_entry_jumppad:
0x0: {  	(pc) =	sbr.rel $0x88, $3  }
0x1: {  	(tag) =	ssettag $0x0;
	lr =	simm.s32 $0x1  }
0x2: {  	[smem:$0x3F9D] =	sst lr;
	_ =	strace $0xD0000000  }
0x3: {  	_ = 	snop  }
0x4: {  	_ = 	snop  }
0x5: {  	_ = 	snop  }
0x6: {  	_ = 	snop  }
0x7: {  	_ = 	snop  }
__scs_overlays_trampoline_lowered:
0x8: {  	[smem:$0x3FAC] =	sst s0  }
0x9: {  	[smem:$0x3FAD] =	sst s1  }
0xa: {  	[smem:$0x3FAE] =	sst s2  }
0xb: {  	[smem:$0x3FAF] =	sst s3  }
0xc: {  	[smem:$0x3FB0] =	sst s4  }
0xd: {  	[smem:$0x3FB1] =	sst s5  }
0xe: {  	[smem:$0x3FB2] =	sst s6  }
0xf: {  	[smem:$0x3FB3] =	sst s7  }
0x10: {  	[smem:$0x3FB4] =	sst s8  }
0x11: {  	[smem:$0x3FB5] =	sst s9;
	s0 =	simm.s32 @!p0 $0x0  }
0x12: {  	s1 =	sld [smem:$0x3F9B];
	s0 =	simm.s32 @p0 $0x1  }
0x13: {  	[smem:$0x3FB6] =	sst s0;
	s0 =	simm.s32 @!p1 $0x0  }
0x14: {  	s2 =	sld [smem:$0x3F9A];
	s0 =	simm.s32 @p1 $0x1  }
0x15: {  	[smem:$0x3FB7] =	sst s0;
	s0 =	simm.s32 @!p2 $0x0  }
0x16: {  	s3 =	sld [smem:$0x3FDB];
	s0 =	simm.s32 @p2 $0x1  }
0x17: {  	s4 =	simm.s32 $0x1BF5;
	[smem:$0x3FB9] =	sst s0  }
0x18: {  	s0 =	sld [smem:$0x3F9C];
	_ =	swait.ge [sflag:s4], $0x0  }
0x19: {  	s7 =	sld [smem:$0x3F9D]  }
0x1a: {  	s8 =	sadd.s32 $0xFFFFE003, lr  }
0x1b: {  	s9 =	sadd.s32 $0xFFFFFEF7, lr;
	s5 =	simm.s32 $0xFFFFFFFF;
	p2 =	slt.u32 s8, $0xFFFFF086  }
0x1c: {  	p1 =	slt.u32 s9, $0xF7A;
	s5 =	simm.s32 @!p2 $0x0  }
0x1d: {  	s5 =	simm.s32 @p1 $0x1;
	p0 =	seq.s32 s7, s2  }
0x1e: {  	s7 =	smul.u32 @!p0 $0xF7A, s2;
	p2 =	seq.s32 @!p0 s5, $0x0  }
0x1f: {  	s9 =	smul.u32 $0xF7A, s1;
	s8 =	simm.s32 @!p0 $0x1BF5;
	p2 =	por !p2, p0  }
0x20: {  	[sflag:s8] =	ssyncset.s32 @!p0 $0xFFFFF086;
	s6 =	sadd.s32 @!p0 s3, s7;
	s7 =	simm.s32 @!p0 $0x108  }
0x21: {  	s3 =	sadd.s32 s3, s9;
	s6 =	sadd.s32 @!p0 $0x88, s6;
	s7 =	simm.s32 @p2 $0x1082  }
0x22: {  	[simem:s7], [sflag:s8] =	dma.local @!p0 [hbm:s6], $0xF7A  }
0x23: {  	s9 =	sor.u32 $0xD0000000, s2;
	s6 =	simm.s32 $0x108;
	_ =	swait.ge @!p0 [sflag:s8], $0x0  }
0x24: {  	s3 =	sadd.s32 $0x88, s3;
	s6 =	simm.s32 @!p1 $0x1082;
	[sflag:s4] =	ssyncset.s32 $0xFFFFF086  }
0x25: {  	[simem:s6], [sflag:s4] =	dma.local [hbm:s3], $0xF7A  }
0x26: {  	[smem:$0x3F9D] =	sst s1;
	(tag) =	ssettag s2;
	_ =	strace s9  }
0x27: {  	s1 =	sld [smem:$0x3FAD]  }
0x28: {  	s2 =	sld [smem:$0x3FAE]  }
0x29: {  	s4 =	sld [smem:$0x3FB0]  }
0x2a: {  	p0 =	seq.s32 s5, $0x0;
	s5 =	sld [smem:$0x3FB1]  }
0x2b: {  	s6 =	sld [smem:$0x3FB2]  }
0x2c: {  	s7 =	sld [smem:$0x3FB3]  }
0x2d: {  	s3 =	simm.s32 $0x108;
	s8 =	sld [smem:$0x3FB4]  }
0x2e: {  	s3 =	simm.s32 @!p0 $0x1082;
	s9 =	sld [smem:$0x3FB5]  }
0x2f: {  	lr =	sadd.s32 s0, s3;
	s0 =	sld [smem:$0x3FAC]  }
0x30: {  	s3 =	sld [smem:$0x3FAF]  }
0x31: {  	[smem:$0x3FB8] =	sst s10  }
0x32: {  	s10 =	sld [smem:$0x3FB6];
	_ =	sdelay $0x3  }
0x33: {  	p0 =	seq.s32 s10, $0x1;
	s10 =	sld [smem:$0x3FB8];
	_ =	sdelay $0x3  }
0x34: {  	[smem:$0x3FB8] =	sst s10  }
0x35: {  	s10 =	sld [smem:$0x3FB7];
	_ =	sdelay $0x3  }
0x36: {  	p1 =	seq.s32 s10, $0x1;
	s10 =	sld [smem:$0x3FB8];
	_ =	sdelay $0x3  }
0x37: {  	[smem:$0x3FB8] =	sst s10  }
0x38: {  	s10 =	sld [smem:$0x3FB9]  }
0x39: {  	_ = 	snop;
	(pc) =	sbr.ind lr, $3  }
0x3a: {  	_ = 	snop  }
0x3b: {  	_ = 	snop  }
0x3c: {  	p2 =	seq.s32 s10, $0x1;
	s10 =	sld [smem:$0x3FB8]  }
0x3d: {  	_ =	shalt  }
0x3e: {  	_ =	shalt  }
0x3f: {  	_ =	shalt  }
0x40: {  	_ =	shalt  }
0x41: {  	_ =	shalt  }
0x42: {  	_ =	shalt  }
0x43: {  	_ =	shalt  }
0x44: {  	_ =	shalt  }
0x45: {  	_ =	shalt  }
0x46: {  	_ =	shalt  }
0x47: {  	_ =	shalt  }
0x48: {  	_ =	shalt  }
0x49: {  	_ =	shalt  }
0x4a: {  	_ =	shalt  }
0x4b: {  	_ =	shalt  }
0x4c: {  	_ =	shalt  }
0x4d: {  	_ =	shalt  }
0x4e: {  	_ =	shalt  }
0x4f: {  	_ =	shalt  }
0x50: {  	_ =	shalt  }
0x51: {  	_ =	shalt  }
0x52: {  	_ =	shalt  }
0x53: {  	_ =	shalt  }
0x54: {  	_ =	shalt  }
0x55: {  	_ =	shalt  }
0x56: {  	_ =	shalt  }
0x57: {  	_ =	shalt  }
0x58: {  	_ =	shalt  }
0x59: {  	_ =	shalt  }
0x5a: {  	_ =	shalt  }
0x5b: {  	_ =	shalt  }
0x5c: {  	_ =	shalt  }
0x5d: {  	_ =	shalt  }
0x5e: {  	_ =	shalt  }
0x5f: {  	_ =	shalt  }
0x60: {  	_ =	shalt  }
0x61: {  	_ =	shalt  }
0x62: {  	_ =	shalt  }
0x63: {  	_ =	shalt  }
0x64: {  	_ =	shalt  }
0x65: {  	_ =	shalt  }
0x66: {  	_ =	shalt  }
0x67: {  	_ =	shalt  }
0x68: {  	_ =	shalt  }
0x69: {  	_ =	shalt  }
0x6a: {  	_ =	shalt  }
0x6b: {  	_ =	shalt  }
0x6c: {  	_ =	shalt  }
0x6d: {  	_ =	shalt  }
0x6e: {  	_ =	shalt  }
0x6f: {  	_ =	shalt  }
0x70: {  	_ =	shalt  }
0x71: {  	_ =	shalt  }
0x72: {  	_ =	shalt  }
0x73: {  	_ =	shalt  }
0x74: {  	_ =	shalt  }
0x75: {  	_ =	shalt  }
0x76: {  	_ =	shalt  }
0x77: {  	_ =	shalt  }
0x78: {  	_ =	shalt  }
0x79: {  	_ =	shalt  }
0x7a: {  	_ =	shalt  }
0x7b: {  	_ =	shalt  }
0x7c: {  	_ =	shalt  }
0x7d: {  	_ =	shalt  }
0x7e: {  	_ =	shalt  }
0x7f: {  	_ =	shalt  }
0x80: {  	_ =	shalt  }
0x81: {  	_ =	shalt  }
0x82: {  	_ =	shalt  }
0x83: {  	_ =	shalt  }
0x84: {  	_ =	shalt  }
0x85: {  	_ =	shalt  }
0x86: {  	_ =	shalt  }
0x87: {  	_ =	shalt  }
.Lfunc_end0:
.L_simem_size_0:
called_computation_lowered:
.L_overlay_start_0:
0x88: {  	s2 =	sld [smem:$0x3FD9]  }
0x89: {  	s3 =	sld [smem:$0x3FFE];
	_ =	sdelay $0x1  }
0x8a: {  	s1 =	srdreg.scid  }
0x8b: {  	s0 =	sand.u32 $0x1, s1  }
0x8c: {  	s17 =	sshll.u32 s0, $0xA;
	s2 =	sadd.s32 s3, s2  }
0x8d: {  	s2 =	sadd.s32 s2, s17  }
0x8e: {  	[smem:$0x3FC4] =	sst s2  }
0x8f: {  	_ = 	snop  }
0x90: {  	s2 =	sld [smem:$0x3FC9]  }
0x91: {  	s18 =	sld [smem:$0x3FD0];
	(tm) =	ssettm $0x1  }
0x92: {  	s4 =	sld [smem:$0x3FFB];
	_ =	sdelay $0x3  }
0x93: {  	_ =	strace s4  }
0x94: {  	s4 =	sld [smem:$0x3FFC];
	_ =	sdelay $0x3  }
0x95: {  	_ =	strace s4  }
0x96: {  	s4 =	sld [smem:$0x3FFD];
	_ =	sdelay $0x3  }
0x97: {  	_ =	strace s4  }
0x98: {  	_ =	strace $0x8FFFFFFF  }
0x99: {  	s19 =	sld [smem:$0x3FDB];
	_ =	sdelay $0x1  }
0x9a: {  	s5 =	simm.s32 $_scs_section_size  }
0x9b: {  	s6 =	simm.s32 $_size__tile_overlayer_lowered;
	s7 =	simm.s32 $_tile_overlayer_lowered  }
0x9c: {  	s22 =	simm.s32 $0x1BFF;
	s21 =	sshll.u32 s7, $0x1;
	s4 =	sadd.s32 s5, s19  }
0x9d: {  	s8 =	simm.s32 $0x0;
	s20 =	sshll.u32 s6, $0x1;
	s6 =	sadd.s32 s21, s4  }
0x9e: {  	[timem:s8], [sflag:s22] =	dma.local [hbm:s6], s20  }
0x9f: {  	_ =	swait.ge [sflag:s22], s20  }
0xa0: {  	s5 =	ssub.s32 $0x0, s20;
	[sflag:s22] =	ssyncset.done $0x0  }
0xa1: {  	[sflag:s22] =	ssyncadd.s32 s5;
	_ =	sdelay $0x1  }
0xa2: {  	s23 =	simm.s32 $0x1B8B  }
0xa3: {  	_ =	swait.ge [sflag:s23], $0x1  }
0xa4: {  	[sflag:s23] =	ssyncset.done $0x0  }
0xa5: {  	s25 =	simm.s32 $0x1B8E;
	s24 =	sld [smem:$0x3FFE];
	[sflag:s23] =	ssyncadd.s32 $0xFFFFFFFF  }
0xa6: {  	s26 =	simm.s32 $execute0_lowered;
	[smem:$0x3FD2] =	sst s25  }
0xa7: {  	s6 =	sshll.u32 s26, $0x1;
	_ =	strace $0x80000046;
	[dreg:$0x1] =	wrdreg $0xFFFFFFFF  }
0xa8: {  	s28 =	simm.s32 $_size_execute0_lowered;
	s4 =	sadd.s32 s4, s6;
	[dreg:$0x0] =	wrdreg $0x0  }
0xa9: {  	s6 =	sshll.u32 s28, $0x1;
	[dreg:$0x2] =	wrdreg s4  }
0xaa: {  	[dreg:$0x3] =	wrdreg s6  }
0xab: {  	[dreg:$0x4] =	wrdreg $0xC0  }
0xac: {  	_ =	task [dreg:s8], $0x5FFFF  }
0xad: {  	[dreg:$0x1] =	wrdreg $0xFFFFFFFF  }
0xae: {  	[dreg:$0x0] =	wrdreg $0x60  }
0xaf: {  	[dreg:$0x2] =	wrdreg s2  }
0xb0: {  	[dreg:$0x3] =	wrdreg s24  }
0xb1: {  	[dreg:$0x4] =	wrdreg s18  }
0xb2: {  	[dreg:$0x5] =	wrdreg $0x0  }
0xb3: {  	[dreg:$0x6] =	wrdreg $0x9  }
0xb4: {  	_ =	task.clear_ibuf [dreg:s8], $0x7FFFF;
	_ =	strace $0x90000046  }
0xb5: {  	s29 =	simm.s32 $0x9;
	_ =	strace $0x80000048  }
0xb6: {  	_ =	swait.ge [sflag:s29], $0x1  }
0xb7: {  	[sflag:s29] =	ssyncadd.s32 $0xFFFFFFFF  }
0xb8: {  	_ =	strace $0x90000048  }
0xb9: {  	_ =	sfence  }
0xba: {  	s30 =	sld [smem:$0x0];
	_ =	sdelay $0x2  }
0xbb: {  	s31 =	sshll.u32 s1, $0xD;
	s1 =	sshrl.u32 s1, $0x2  }
0xbc: {  	s3 =	sand.u32 $0x4000, s31;
	s1 =	sadd.s32 s1, s30  }
0xbd: {  	s0 =	sor.u32 s3, s0;
	s1 =	sshll.u32 s1, $0x11  }
0xbe: {  	s0 =	sor.u32 s1, s0  }
0xbf: {  	s0 =	sadd.s32 $0x8F2B, s0  }
0xc0: {  	[sflag:s0] =	ssyncadd.remote.s32 $0x1  }
0xc1: {  	_ =	sfence.sel $0xFFFF  }
0xc2: {  	[dreg:$0x0] =	wrdreg $0xFFFFFFFF;
	(pc) =	sbr.abs _section_cstart, $3  }
0xc3: {  	[dreg:$0x1] =	wrdreg $0xFFFFFFFF  }
0xc4: {  	_ =	task.clear_ibuf [dreg:s8], $0x2FFFF;
	_ =	strace $0x9FFFFFFF  }
0xc5: {  	(tm) =	ssettm $0x7FFFFFFF  }
tec
execute0_lowered:
.L_overlay_start_1:
0x0: {  	(tag) =	ssettag $0x1  }
0x1: {  	s1 =	rddreg [dreg:$0x0]  }
0x2: {  	s0 =	rddreg [dreg:$0x1]  }
0x3: {  	s3 =	rddreg [dreg:$0x2]  }
0x4: {  	s2 =	rddreg [dreg:$0x3];
	s4 =	simm.s32 $0x0  }
0x5: {  	s5 =	srdreg.scid;
	s11 =	stileid.u32;
	s28 =	simm.s32 $0x4  }
0x6: {  	s29 =	simm.s32 $0x1;
	s30 =	simm.s32 $0x40;
	s31 =	simm.s32 $0x5  }
0x7: {  	[smem:$0x7FF] =	sst s4;
	s5 =	sand.u32 $0x1, s5;
	s6 =	sshll.u32 s11, $0xA  }
0x8: {  	s8 =	sshll.u32 s11, $0x14;
	s10 =	sshll.u32 s11, $0x10;
	s23 =	sshll.u32 s11, $0x11  }
0x9: {  	_ =	strace $0x80000047;
	s7 =	sshll.u32 s5, $0xA;
	s0 =	sadd.s32 s6, s0  }
0xa: {  	s5 =	ssub.s32 $0x2, s5;
	s6 =	sadd.s32 s10, s2;
	s8 =	sor.u32 s7, s8  }
0xb: {  	s19 =	sshrl.u32 s5, $0x1;
	s0 =	sadd.s32 $0x1000, s0;
	s20 =	sadd.s32 $0x2000, s6  }
0xc: {  	s21 =	sadd.s32 $0x4000, s6;
	s22 =	sadd.s32 $0x6000, s6;
	[dreg:$0x6] =	wrdreg s0  }
0xd: {  	s24 =	sadd.s32 $0x8000, s6;
	s13 =	sadd.s32 $0xA000, s6;
	[dreg:$0x7] =	wrdreg s20  }
0xe: {  	s14 =	sadd.s32 $0xC000, s6;
	s15 =	sadd.s32 $0xE000, s6;
	[dreg:$0x8] =	wrdreg s21  }
0xf: {  	s9 =	sshrl.u32 s8, $0x3;
	s17 =	ssub.s32 s5, s19;
	[dreg:$0x9] =	wrdreg s22  }
0x10: {  	[dreg:$0xa] =	wrdreg s24;
	s0 =	sor.u32 s7, s23;
	s25 =	sor.u32 $0x18000, s8  }
0x11: {  	s19 =	sor.u32 $0x10000, s8;
	s20 =	simm.s32 $0x400;
	s21 =	simm.s32 $0x800  }
0x12: {  	s22 =	simm.s32 $0x14000;
	s23 =	simm.s32 $0x18000;
	s24 =	simm.s32 $0x1A000  }
0x13: {  	s5 =	sadd.s32 s1, s9;
	s0 =	sshrl.u32 s0, $0x3;
	s26 =	sshrl.u32 s25, $0x3  }
0x14: {  	s17 =	smax.u32 s17, $0x1;
	s25 =	simm.s32 $0x12000;
	s9 =	sadd.s32 $0x1000, s5  }
0x15: {  	s16 =	sadd.s32 s3, s0;
	s10 =	sadd.s32 s26, s1;
	s26 =	simm.s32 $0x3  }
0x16: {  	v0 =	vimm.f32 $0.0e+00;
	s0 =	simm.s32 $0x16000;
	s3 =	simm.s32 $0x2;
	[dreg:$0x5] =	wrdreg s9  }
.LBB2_1:
0x17: {  	[tilespmem:s22], [sflag:$0x1] =	stream.strided.gather [hbm4b:s5+s20], $0x4000, s21, s20, $0x38;
	[tilespmem:$0x1C000] =	vst v63  }
0x18: {  	s7 =	rddreg [dreg:$0x5]  }
0x19: {  	[tilespmem:s23], [sflag:$0x2] =	stream.strided.gather [hbm4b:s7+s20], $0x4000, s21, s20, $0x38;
	[tilespmem:$0x1C000] =	vst v63  }
0x1a: {  	s8 =	simm.s32 $0x200;
	s7 =	simm.s32 $0x0  }
.LBB2_2:
0x1b: {  	p0 =	sne.s32 s8, $0x7E00;
	[tilespmem:s7+$0x12070] =	vst v0  }
0x1c: {  	[tilespmem:s7+$0x12000] =	vst v0  }
0x1d: {  	[tilespmem:s7+$0x12010] =	vst v0  }
.Ltmp0:
0x1e: {  	[tilespmem:s7+$0x12020] =	vst v0;
	(pc) =	sbr.rel @p0 .LBB2_2-.Ltmp0, $4  }
0x1f: {  	[tilespmem:s7+$0x12030] =	vst v0  }
0x20: {  	[tilespmem:s7+$0x12040] =	vst v0  }
0x21: {  	[tilespmem:s7+$0x12050] =	vst v0  }
0x22: {  	[tilespmem:s7+$0x12060] =	vst v0;
	s7 =	sshra.s32 s8, $0x2;
	s8 =	sadd.s32 $0x200, s8  }
0x23: {  	[tilespmem:s7+$0x12070] =	vst v0  }
0x24: {  	[tilespmem:s7+$0x12000] =	vst v0  }
0x25: {  	[tilespmem:s7+$0x12010] =	vst v0  }
0x26: {  	[tilespmem:s7+$0x12020] =	vst v0  }
0x27: {  	[tilespmem:s7+$0x12030] =	vst v0  }
0x28: {  	[tilespmem:s7+$0x12040] =	vst v0  }
0x29: {  	[tilespmem:s7+$0x12050] =	vst v0  }
0x2a: {  	[tilespmem:s7+$0x12060] =	vst v0;
	s18 =	simm.s32 $0x0;
	s8 =	rddreg [dreg:$0x6];
	s9 =	simm.s32 $0x10000  }
0x2b: {  	[tilespmem:s9], [sflag:$0x4] =	stream.linear.gather [hbm4b:s8+s18], $0x2000, $0x38;
	[tilespmem:$0x1C000] =	vst v63  }
0x2c: {  	_ = 	snop  }
0x2d: {  	[spmem:s6] =	stream.linear.scatter [tilespmem:s25], [sflag:$0x3], $0x2000, $0x38;
	[tilespmem:$0x1C000] =	vst v63  }
0x2e: {  	s9 =	rddreg [dreg:$0x7]  }
0x2f: {  	[spmem:s9] =	stream.linear.scatter [tilespmem:s25], [sflag:$0x3], $0x2000, $0x38;
	[tilespmem:$0x1C000] =	vst v63  }
0x30: {  	s11 =	rddreg [dreg:$0x8]  }
0x31: {  	[spmem:s11] =	stream.linear.scatter [tilespmem:s25], [sflag:$0x3], $0x2000, $0x38;
	[tilespmem:$0x1C000] =	vst v63  }
0x32: {  	s12 =	rddreg [dreg:$0x9]  }
0x33: {  	[spmem:s12] =	stream.linear.scatter [tilespmem:s25], [sflag:$0x3], $0x2000, $0x38;
	[tilespmem:$0x1C000] =	vst v63  }
0x34: {  	s18 =	rddreg [dreg:$0xa]  }
0x35: {  	[spmem:s18] =	stream.linear.scatter [tilespmem:s25], [sflag:$0x3], $0x2000, $0x38;
	[tilespmem:$0x1C000] =	vst v63  }
0x36: {  	_ = 	snop  }
0x37: {  	[spmem:s13] =	stream.linear.scatter [tilespmem:s25], [sflag:$0x3], $0x2000, $0x38;
	[tilespmem:$0x1C000] =	vst v63  }
0x38: {  	_ = 	snop  }
0x39: {  	[spmem:s14] =	stream.linear.scatter [tilespmem:s25], [sflag:$0x3], $0x2000, $0x38;
	[tilespmem:$0x1C000] =	vst v63  }
0x3a: {  	_ = 	snop  }
0x3b: {  	[spmem:s15] =	stream.linear.scatter [tilespmem:s25], [sflag:$0x3], $0x2000, $0x38;
	[tilespmem:$0x1C000] =	vst v63  }
0x3c: {  	_ =	swait.ge [sflag:s26], $0x2000  }
0x3d: {  	[sflag:s26] =	ssyncset.done $0x0  }
0x3e: {  	[sflag:s26] =	ssyncadd.s32 $0xFFFFE000  }
0x3f: {  	_ =	swait.ge [sflag:s26], $0x2000  }
0x40: {  	[sflag:s26] =	ssyncset.done $0x0  }
0x41: {  	[sflag:s26] =	ssyncadd.s32 $0xFFFFE000  }
0x42: {  	_ =	swait.ge [sflag:s26], $0x2000  }
0x43: {  	[sflag:s26] =	ssyncset.done $0x0  }
0x44: {  	[sflag:s26] =	ssyncadd.s32 $0xFFFFE000  }
0x45: {  	_ =	swait.ge [sflag:s26], $0x2000  }
0x46: {  	[sflag:s26] =	ssyncset.done $0x0  }
0x47: {  	[sflag:s26] =	ssyncadd.s32 $0xFFFFE000  }
0x48: {  	_ =	swait.ge [sflag:s26], $0x2000  }
0x49: {  	[sflag:s26] =	ssyncset.done $0x0  }
0x4a: {  	[sflag:s26] =	ssyncadd.s32 $0xFFFFE000  }
0x4b: {  	_ =	swait.ge [sflag:s26], $0x2000  }
0x4c: {  	[sflag:s26] =	ssyncset.done $0x0  }
0x4d: {  	[sflag:s26] =	ssyncadd.s32 $0xFFFFE000  }
0x4e: {  	_ =	swait.ge [sflag:s26], $0x2000  }
0x4f: {  	[sflag:s26] =	ssyncset.done $0x0  }
0x50: {  	[sflag:s26] =	ssyncadd.s32 $0xFFFFE000  }
0x51: {  	_ =	swait.ge [sflag:s26], $0x2000  }
0x52: {  	[sflag:s26] =	ssyncset.done $0x0  }
0x53: {  	[sflag:s26] =	ssyncadd.s32 $0xFFFFE000  }
0x54: {  	_ =	swait.ge [sflag:s28], $0x2000  }
0x55: {  	[sflag:s28] =	ssyncset.done $0x0  }
0x56: {  	[sflag:s28] =	ssyncadd.s32 $0xFFFFE000  }
0x57: {  	[bflag:$0x0] =	sbarrier.arrive $0xFFFF  }
0x58: {  	_ =	swait.ge [sflag:s29], $0x4000  }
0x59: {  	[sflag:s29] =	ssyncset.done $0x0  }
0x5a: {  	s8 =	simm.s32 $0x10000;
	[sflag:s29] =	ssyncadd.s32 $0xFFFFC000  }
0x5b: {  	[spmem:s2] =	stream.indirect.scatter.add.f32 [tilespmem:s22], [sflag:$0x5], $0x80, s8, s30, $0xb8;
	[tilespmem:$0x1C000] =	vst v63  }
0x5c: {  	_ =	swait.ge [sflag:s31], $0x2000  }
0x5d: {  	[sflag:s31] =	ssyncset.done $0x0  }
0x5e: {  	s9 =	simm.s32 $0x10080;
	[sflag:s31] =	ssyncadd.s32 $0xFFFFE000  }
0x5f: {  	[spmem:s2] =	stream.indirect.scatter.add.f32 [tilespmem:s0], [sflag:$0x5], $0x80, s9, s30, $0xb8;
	[tilespmem:$0x1C000] =	vst v63  }
0x60: {  	_ =	swait.ge [sflag:s31], $0x2000  }
0x61: {  	s11 =	sshrl.u32 s19, $0x3;
	[sflag:s31] =	ssyncset.done $0x0  }
0x62: {  	s7 =	sadd.s32 s1, s11;
	[sflag:s31] =	ssyncadd.s32 $0xFFFFE000  }
0x63: {  	[tilespmem:s22], [sflag:$0x1] =	stream.strided.gather [hbm4b:s7+s20], $0x4000, s21, s20, $0x38;
	[tilespmem:$0x1C000] =	vst v63  }
0x64: {  	_ =	swait.ge [sflag:s3], $0x4000  }
0x65: {  	[sflag:s3] =	ssyncset.done $0x0  }
0x66: {  	s12 =	simm.s32 $0x10100;
	[sflag:s3] =	ssyncadd.s32 $0xFFFFC000  }
0x67: {  	[spmem:s2] =	stream.indirect.scatter.add.f32 [tilespmem:s23], [sflag:$0x5], $0x80, s12, s30, $0xb8;
	[tilespmem:$0x1C000] =	vst v63  }
0x68: {  	_ =	swait.ge [sflag:s31], $0x2000  }
0x69: {  	[sflag:s31] =	ssyncset.done $0x0  }
0x6a: {  	s18 =	simm.s32 $0x10180;
	[sflag:s31] =	ssyncadd.s32 $0xFFFFE000  }
0x6b: {  	[spmem:s2] =	stream.indirect.scatter.add.f32 [tilespmem:s24], [sflag:$0x5], $0x80, s18, s30, $0xb8;
	[tilespmem:$0x1C000] =	vst v63  }
0x6c: {  	_ =	swait.ge [sflag:s31], $0x2000  }
0x6d: {  	s8 =	sadd.s32 $0x2000, s10;
	s9 =	sadd.s32 $0x10000, s19;
	[sflag:s31] =	ssyncset.done $0x0  }
0x6e: {  	s7 =	simm.s32 $0x800;
	s18 =	smov.u32 s10;
	[sflag:s31] =	ssyncadd.s32 $0xFFFFE000  }
.LBB2_4:
0x6f: {  	[tilespmem:s23], [sflag:$0x2] =	stream.strided.gather [hbm4b:s18+s20], $0x4000, s21, s20, $0x38;
	[tilespmem:$0x1C000] =	vst v63  }
0x70: {  	s11 =	smov.u32 s7;
	s18 =	smov.u32 s8  }
0x71: {  	p0 =	sne.s32 s7, $0x7000;
	s7 =	sadd.s32 $0x800, s7;
	_ =	swait.ge [sflag:s29], $0x4000  }
0x72: {  	s11 =	sshra.s32 s11, $0x2;
	[sflag:s29] =	ssyncset.done $0x0  }
0x73: {  	s12 =	sadd.s32 $0x10000, s11;
	[sflag:s29] =	ssyncadd.s32 $0xFFFFC000  }
0x74: {  	[spmem:s2] =	stream.indirect.scatter.add.f32 [tilespmem:s22], [sflag:$0x5], $0x80, s12, s30, $0xb8;
	[tilespmem:$0x1C000] =	vst v63  }
0x75: {  	_ =	swait.ge [sflag:s31], $0x2000  }
0x76: {  	[sflag:s31] =	ssyncset.done $0x0  }
0x77: {  	s12 =	sadd.s32 $0x10080, s11;
	[sflag:s31] =	ssyncadd.s32 $0xFFFFE000  }
0x78: {  	[spmem:s2] =	stream.indirect.scatter.add.f32 [tilespmem:s0], [sflag:$0x5], $0x80, s12, s30, $0xb8;
	[tilespmem:$0x1C000] =	vst v63  }
0x79: {  	_ =	swait.ge [sflag:s31], $0x2000  }
0x7a: {  	s12 =	sshrl.u32 s9, $0x3;
	[sflag:s31] =	ssyncset.done $0x0  }
0x7b: {  	s12 =	sadd.s32 s1, s12;
	[sflag:s31] =	ssyncadd.s32 $0xFFFFE000  }
0x7c: {  	[tilespmem:s22], [sflag:$0x1] =	stream.strided.gather [hbm4b:s12+s20], $0x4000, s21, s20, $0x38;
	[tilespmem:$0x1C000] =	vst v63  }
0x7d: {  	_ =	swait.ge [sflag:s3], $0x4000  }
0x7e: {  	[sflag:s3] =	ssyncset.done $0x0  }
0x7f: {  	s12 =	sadd.s32 $0x10100, s11;
	[sflag:s3] =	ssyncadd.s32 $0xFFFFC000  }
0x80: {  	[spmem:s2] =	stream.indirect.scatter.add.f32 [tilespmem:s23], [sflag:$0x5], $0x80, s12, s30, $0xb8;
	[tilespmem:$0x1C000] =	vst v63  }
0x81: {  	_ =	swait.ge [sflag:s31], $0x2000  }
0x82: {  	[sflag:s31] =	ssyncset.done $0x0  }
.Ltmp1:
0x83: {  	s11 =	sadd.s32 $0x10180, s11;
	[sflag:s31] =	ssyncadd.s32 $0xFFFFE000;
	(pc) =	sbr.rel @p0 .LBB2_4-.Ltmp1, $4  }
0x84: {  	[spmem:s2] =	stream.indirect.scatter.add.f32 [tilespmem:s24], [sflag:$0x5], $0x80, s11, s30, $0xb8;
	[tilespmem:$0x1C000] =	vst v63  }
0x85: {  	_ =	swait.ge [sflag:s31], $0x2000  }
0x86: {  	[sflag:s31] =	ssyncset.done $0x0  }
0x87: {  	s8 =	sadd.s32 $0x2000, s8;
	s9 =	sadd.s32 $0x10000, s9;
	[sflag:s31] =	ssyncadd.s32 $0xFFFFE000  }
0x88: {  	[tilespmem:s23], [sflag:$0x2] =	stream.strided.gather [hbm4b:s18+s20], $0x4000, s21, s20, $0x38;
	[tilespmem:$0x1C000] =	vst v63  }
0x89: {  	_ =	swait.ge [sflag:s29], $0x4000  }
0x8a: {  	[sflag:s29] =	ssyncset.done $0x0  }
0x8b: {  	s7 =	simm.s32 $0x11E00;
	[sflag:s29] =	ssyncadd.s32 $0xFFFFC000  }
0x8c: {  	[spmem:s2] =	stream.indirect.scatter.add.f32 [tilespmem:s22], [sflag:$0x5], $0x80, s7, s30, $0xb8;
	[tilespmem:$0x1C000] =	vst v63  }
0x8d: {  	_ =	swait.ge [sflag:s31], $0x2000  }
0x8e: {  	[sflag:s31] =	ssyncset.done $0x0  }
0x8f: {  	s9 =	simm.s32 $0x11E80;
	[sflag:s31] =	ssyncadd.s32 $0xFFFFE000  }
0x90: {  	[spmem:s2] =	stream.indirect.scatter.add.f32 [tilespmem:s0], [sflag:$0x5], $0x80, s9, s30, $0xb8;
	[tilespmem:$0x1C000] =	vst v63  }
0x91: {  	_ =	swait.ge [sflag:s31], $0x2000  }
0x92: {  	[sflag:s31] =	ssyncset.done $0x0  }
0x93: {  	[sflag:s31] =	ssyncadd.s32 $0xFFFFE000  }
0x94: {  	_ =	swait.ge [sflag:s3], $0x4000  }
0x95: {  	[sflag:s3] =	ssyncset.done $0x0  }
0x96: {  	s11 =	simm.s32 $0x11F00;
	[sflag:s3] =	ssyncadd.s32 $0xFFFFC000  }
0x97: {  	[spmem:s2] =	stream.indirect.scatter.add.f32 [tilespmem:s23], [sflag:$0x5], $0x80, s11, s30, $0xb8;
	[tilespmem:$0x1C000] =	vst v63  }
0x98: {  	_ =	swait.ge [sflag:s31], $0x2000  }
0x99: {  	s12 =	simm.s32 $0x11F80;
	[sflag:s31] =	ssyncset.done $0x0  }
0x9a: {  	s18 =	stileid.u32;
	s8 =	sshrl.u32 s6, $0x3;
	[sflag:s31] =	ssyncadd.s32 $0xFFFFE000  }
0x9b: {  	[spmem:s2] =	stream.indirect.scatter.add.f32 [tilespmem:s24], [sflag:$0x5], $0x80, s12, s30, $0xb8;
	[tilespmem:$0x1C000] =	vst v63  }
0x9c: {  	s4 =	sadd.s32 $0x1, s4;
	s7 =	sshll.u32 s18, $0x6;
	_ =	swait.ge [sflag:s31], $0x2000  }
0x9d: {  	p0 =	sne.s32 s4, s17;
	s7 =	sor.u32 $0x1C05, s7;
	[sflag:s31] =	ssyncset.done $0x0  }
0x9e: {  	s9 =	simm.s32 $0x8;
	s11 =	simm.s32 $0x100;
	[sflag:s31] =	ssyncadd.s32 $0xFFFFE000  }
.Ltmp2:
0x9f: {  	s12 =	simm.s32 $0x80;
	[bflag:$0x0] =	sbarrier.arrive $0xFFFF;
	(pc) =	sbr.rel @p0 .LBB2_1-.Ltmp2, $4  }
0xa0: {  	[hbm:s16@s11], [sflag:s7] =	dma.strided [spmem:s8@s12], $0x2000, s9, $0x10   }
0xa1: {  	_ =	swait.ge [sflag:s31], $0x2000  }
0xa2: {  	[sflag:s31] =	ssyncset.done $0x0  }
0xa3: {  	[sflag:s31] =	ssyncadd.s32 $0xFFFFE000  }
0xa4: {  	_ =	sfence.sel $0x180000  }
0xa5: {  	[bflag:$0x0] =	sbarrier.arrive $0xFFFF  }
0xa6: {  	_ =	strace $0x90000047  }
0xa7: {  	s0 =	stileid.u32;
	[bflag:$0x2] =	sbarrier.arrive $0xFFFF  }
0xa8: {  	p0 =	sne.s32 s0, $0x0;
	s0 =	rddreg [dreg:$0x4]  }
0xa9: {  	s0 =	sadd.s32 @!p0 $0x100000, s0  }
0xaa: {  	[sflag:s0] =	ssyncadd.tile.s32 @!p0 $0x1;
	_ =	shalt  }
.Lfunc_end2:
_tile_overlayer_lowered:
.L_overlay_start_2:
0xab: {  	(tag) =	ssettag $0x2  }
0xac: {  	s0 =	rddreg [dreg:$0x0];
	s2 =	stileid.u32  }
0xad: {  	s1 =	rddreg [dreg:$0x1];
	p0 =	sne.s32 s2, $0x0  }
0xae: {  	s3 =	rddreg [dreg:$0x2];
	[bflag:$0x3] =	sbarrier.arrive $0xFFFF;
	s2 =	simm.s32 @!p0 $0x1C05  }
0xaf: {  	[timem:s3], [sflag:s2] =	dma.local @!p0 [hbm:s0], s1  }
0xb0: {  	s0 =	simm.s32 @!p0 $0x5  }
0xb1: {  	_ =	swait.ge @!p0 [sflag:s0], s1  }
0xb2: {  	s1 =	ssub.s32 @!p0 $0x0, s1;
	[sflag:s0] =	ssyncset.done @!p0 $0x0  }
0xb3: {  	[sflag:s0] =	ssyncadd.s32 @!p0 s1  }
0xb4: {  	[bflag:$0x3] =	sbarrier.arrive $0xFFFF  }
0xb5: {  	_ =	shalt  }

</sc_bundles>
